<compile_context>
chip_gen: v7x
topology: tpu7x:2x2x1
jax: 0.10.2.dev20260603
libtpu: 0.0.44.dev20260713+nightly
codegen_flags: <defaults>
</compile_context>

<pallas_src>
import functools
import math

import jax
import jax.numpy as jnp
from jax import lax
from jax.experimental import pallas as pl
from jax.experimental.pallas import tpu as pltpu
from jax.experimental.pallas import tpu_sc as plsc

_NC = 2
_NS = 16
_NW = _NC * _NS
_CHUNK = 80


def _proj_body(x_ref, nt_ref, wk_ref, bk_ref, wq_ref, bq_ref, wv_ref, bv_ref,
               bdk_ref, bdv_ref, q_out, kh_out, vh_out):
    T = wk_ref.shape[0]
    R = bdk_ref.shape[0]
    x = x_ref[...]
    nt = nt_ref[...]
    K = jnp.zeros_like(x)
    Q = jnp.zeros_like(x)
    V = jnp.zeros_like(x)
    for t in range(T):
        m = (nt == t).astype(x.dtype)
        K = K + m * (jnp.dot(x, wk_ref[t], preferred_element_type=jnp.float32)
                     + bk_ref[t:t + 1, :])
        Q = Q + m * (jnp.dot(x, wq_ref[t], preferred_element_type=jnp.float32)
                     + bq_ref[t:t + 1, :])
        V = V + m * (jnp.dot(x, wv_ref[t], preferred_element_type=jnp.float32)
                     + bv_ref[t:t + 1, :])
    q_out[...] = Q
    for r in range(R):
        kh_out[r] = jnp.dot(K, bdk_ref[r], preferred_element_type=jnp.float32)
        vh_out[r] = jnp.dot(V, bdv_ref[r], preferred_element_type=jnp.float32)


def _att_body(q_ref, k_ref, v_ref, s8_ref, e8a_ref, e8b_ref, p816_ref,
              msga_out, msgb_out):
    DH = e8a_ref.shape[1]
    prod = q_ref[...] * k_ref[...]
    att = jnp.dot(prod, s8_ref[...], preferred_element_type=jnp.float32,
                  precision=lax.Precision.HIGHEST)
    ex8 = jnp.exp(att)
    exka = jnp.dot(ex8, e8a_ref[...], preferred_element_type=jnp.float32)
    exkb = jnp.dot(ex8, e8b_ref[...], preferred_element_type=jnp.float32)
    ex16 = jnp.dot(ex8, p816_ref[...], preferred_element_type=jnp.float32)
    v = v_ref[...]
    msga_out[...] = jnp.concatenate([v[:, :DH] * exka, ex16], axis=1)
    msgb_out[...] = jnp.concatenate([v[:, DH:] * exkb, ex16], axis=1)


def _final_body(pa_ref, pb_ref, x_ref, nt_ref, waa_ref, wab_ref,
                ba_ref, skip_ref, lng_ref, lnb_ref, m16a_ref, m16b_ref,
                out_ref):
    T = waa_ref.shape[0]
    DH = waa_ref.shape[1]
    suma = pa_ref[0] + pa_ref[1]
    sumb = pb_ref[0] + pb_ref[1]
    numa = suma[:, :DH]
    numb = sumb[:, :DH]
    den16 = suma[:, DH:]
    r8 = 1.0 / (den16 + 1e-16)
    rda = jnp.dot(r8, m16a_ref[...], preferred_element_type=jnp.float32)
    rdb = jnp.dot(r8, m16b_ref[...], preferred_element_type=jnp.float32)
    isq2 = 1.0 / math.sqrt(2.0)
    aga = numa * rda
    agb = numb * rdb
    ga = 0.5 * aga * (1.0 + lax.erf(aga * isq2))
    gb = 0.5 * agb * (1.0 + lax.erf(agb * isq2))
    x = x_ref[...]
    nt = nt_ref[...]
    sg = jax.nn.sigmoid(skip_ref[...])
    trans = jnp.zeros_like(x)
    a = jnp.zeros_like(nt, dtype=x.dtype)
    gamma = jnp.zeros_like(x)
    beta = jnp.zeros_like(x)
    for t in range(T):
        m = (nt == t).astype(x.dtype)
        trans = trans + m * (
            jnp.dot(ga, waa_ref[t], preferred_element_type=jnp.float32)
            + jnp.dot(gb, wab_ref[t], preferred_element_type=jnp.float32)
            + ba_ref[t:t + 1, :])
        a = a + m * sg[0:1, t:t + 1]
        gamma = gamma + m * lng_ref[t:t + 1, :]
        beta = beta + m * lnb_ref[t:t + 1, :]
    pre = trans * a + x * (1.0 - a)
    mu = jnp.mean(pre, axis=1, keepdims=True)
    cen = pre - mu
    var = jnp.mean(cen * cen, axis=1, keepdims=True)
    normed = cen * lax.rsqrt(var + 1e-5)
    out_ref[...] = normed * gamma + beta


def _make_gather(E, N, D, R):
    EW = E // _NW
    C = _CHUNK
    mesh = plsc.VectorSubcoreMesh(core_axis_name="c", subcore_axis_name="s")
    f32 = jnp.float32

    @functools.partial(
        pl.kernel,
        out_type=(jax.ShapeDtypeStruct((E, D), f32),
                  jax.ShapeDtypeStruct((E, D), f32),
                  jax.ShapeDtypeStruct((E, D), f32)),
        mesh=mesh,
        compiler_params=pltpu.CompilerParams(use_tc_tiling_on_sc=False),
        scratch_types=[
            pltpu.VMEM((C,), jnp.int32),
            pltpu.VMEM((C,), jnp.int32),
            pltpu.VMEM((C, D), f32),
            pltpu.VMEM((C, D), f32),
            pltpu.VMEM((C, D), f32),
            pltpu.SemaphoreType.DMA,
            pltpu.SemaphoreType.DMA,
            pltpu.SemaphoreType.DMA,
        ],
    )
    def gather(dst_hbm, eidx_hbm, q_hbm, kh_hbm, vh_hbm,
               qe_out, ke_out, ve_out,
               dst_v, eidx_v, qb, kb, vb, sem1, sem2, sem3):
        wid = lax.axis_index("s") * _NC + lax.axis_index("c")
        base = wid * EW

        def body(i, carry):
            off = base + i * C
            pltpu.sync_copy(dst_hbm.at[pl.ds(off, C)], dst_v)
            pltpu.sync_copy(eidx_hbm.at[pl.ds(off, C)], eidx_v)
            c1 = pltpu.async_copy(q_hbm.at[dst_v], qb, sem1)
            c2 = pltpu.async_copy(kh_hbm.at[eidx_v], kb, sem2)
            c3 = pltpu.async_copy(vh_hbm.at[eidx_v], vb, sem3)
            c1.wait()
            c2.wait()
            c3.wait()
            pltpu.sync_copy(qb, qe_out.at[pl.ds(off, C)])
            pltpu.sync_copy(kb, ke_out.at[pl.ds(off, C)])
            pltpu.sync_copy(vb, ve_out.at[pl.ds(off, C)])
            return carry

        lax.fori_loop(0, EW // C, body, 0)

    return gather


def _make_scatter(E, N, DH):
    EW = E // _NW
    C = _CHUNK
    W = DH + 16
    ZR = 200
    ZW = N // 1000
    ZPW = 1000 // ZR
    ITERS = EW // C
    mesh = plsc.VectorSubcoreMesh(core_axis_name="c", subcore_axis_name="s")
    f32 = jnp.float32

    @functools.partial(
        pl.kernel,
        out_type=(jax.ShapeDtypeStruct((_NC, N, W), f32),
                  jax.ShapeDtypeStruct((_NC, N, W), f32)),
        mesh=mesh,
        compiler_params=pltpu.CompilerParams(use_tc_tiling_on_sc=False),
        scratch_types=[
            pltpu.VMEM((C,), jnp.int32),
            pltpu.VMEM((C,), jnp.int32),
            pltpu.VMEM((C, W), f32),
            pltpu.VMEM((C, W), f32),
            pltpu.VMEM((ZR, W), f32),
            pltpu.VMEM_SHARED((N, W), f32),
            pltpu.SemaphoreType.DMA,
            pltpu.SemaphoreType.DMA,
            pltpu.SemaphoreType.DMA,
            pltpu.SemaphoreType.DMA,
        ],
    )
    def scatter(dst_hbm, ma_hbm, mb_hbm, outa, outb,
                d0, d1, m0, m1, zbuf, tab, sd0, sd1, sm0, sm1):
        cid = lax.axis_index("c")
        sid = lax.axis_index("s")
        wid = sid * _NC + cid
        base = wid * EW
        dbufs = (d0, d1)
        mbufs = (m0, m1)
        dsems = (sd0, sd1)
        msems = (sm0, sm1)
        zv = jnp.zeros((16,), f32)

        def zbody(r, carry):
            for h in range(W // 16):
                zbuf[r, pl.ds(h * 16, 16)] = zv
            return carry

        lax.fori_loop(0, ZR, zbody, 0)

        def phase(m_hbm, out_ref):
            @pl.when(sid < ZW)
            def _():
                def zcopy(j, carry):
                    pltpu.sync_copy(
                        zbuf, tab.at[pl.ds(sid * 1000 + j * ZR, ZR)])
                    return carry
                lax.fori_loop(0, ZPW, zcopy, 0)

            plsc.subcore_barrier()

            def start(c, b):
                off = base + c * C
                pltpu.async_copy(dst_hbm.at[pl.ds(off, C)], dbufs[b], dsems[b])
                pltpu.async_copy(m_hbm.at[pl.ds(off, C)], mbufs[b], msems[b])

            def wait(b):
                pltpu.make_async_copy(
                    dst_hbm.at[pl.ds(0, C)], dbufs[b], dsems[b]).wait()
                pltpu.make_async_copy(
                    m_hbm.at[pl.ds(0, C)], mbufs[b], msems[b]).wait()

            def add(b):
                pltpu.sync_copy(mbufs[b], tab.at[dbufs[b]], add=True)

            start(0, 0)

            def outer(i2, carry):
                c0 = 2 * i2
                start(c0 + 1, 1)
                wait(0)
                add(0)

                @pl.when(c0 + 2 < ITERS)
                def _():
                    start(c0 + 2, 0)

                wait(1)
                add(1)
                return carry

            lax.fori_loop(0, ITERS // 2, outer, 0)
            if ITERS % 2 == 1:
                wait(0)
                add(0)
            plsc.subcore_barrier()

            @pl.when(sid == 0)
            def _():
                pltpu.sync_copy(tab, out_ref.at[cid])

            plsc.subcore_barrier()

        phase(ma_hbm, outa)
        phase(mb_hbm, outb)

    return scatter


def kernel(meta_xs, node_type, edge_index, edge_type, Wk, bk, Wq, bq, Wv, bv,
           Wa, ba, ln_g, ln_b, rel_pri, rel_att, rel_msg, skip):
    N, D = meta_xs.shape
    E = edge_index.shape[1]
    T = Wk.shape[0]
    R, H, DK, _ = rel_att.shape
    f32 = jnp.float32

    nt2 = node_type.reshape(N, 1).astype(jnp.int32)
    src = edge_index[0].astype(jnp.int32)
    dst = edge_index[1].astype(jnp.int32)
    eidx = edge_type.astype(jnp.int32) * N + src
    scale = rel_pri / math.sqrt(DK)
    eyeH = jnp.eye(H, dtype=f32)
    bdk = jnp.einsum('rhij,hg->rhigj', rel_att * scale[:, :, None, None],
                     eyeH).reshape(R, D, D)
    bdv = jnp.einsum('rhij,hg->rhigj', rel_msg, eyeH).reshape(R, D, D)
    S8 = jnp.kron(eyeH, jnp.ones((DK, 1), f32))
    E8 = jnp.kron(eyeH, jnp.ones((1, DK), f32))
    P816 = jnp.eye(H, 16, dtype=f32)
    M16 = jnp.concatenate([E8, jnp.zeros((16 - H, D), f32)], axis=0)

    B1 = 1000
    grid1 = N // B1
    q, kh, vh = pl.pallas_call(
        _proj_body,
        grid=(grid1,),
        in_specs=[
            pl.BlockSpec((B1, D), lambda i: (i, 0)),
            pl.BlockSpec((B1, 1), lambda i: (i, 0)),
            pl.BlockSpec((T, D, D), lambda i: (0, 0, 0)),
            pl.BlockSpec((T, D), lambda i: (0, 0)),
            pl.BlockSpec((T, D, D), lambda i: (0, 0, 0)),
            pl.BlockSpec((T, D), lambda i: (0, 0)),
            pl.BlockSpec((T, D, D), lambda i: (0, 0, 0)),
            pl.BlockSpec((T, D), lambda i: (0, 0)),
            pl.BlockSpec((R, D, D), lambda i: (0, 0, 0)),
            pl.BlockSpec((R, D, D), lambda i: (0, 0, 0)),
        ],
        out_specs=[
            pl.BlockSpec((B1, D), lambda i: (i, 0)),
            pl.BlockSpec((R, B1, D), lambda i: (0, i, 0)),
            pl.BlockSpec((R, B1, D), lambda i: (0, i, 0)),
        ],
        out_shape=[
            jax.ShapeDtypeStruct((N, D), f32),
            jax.ShapeDtypeStruct((R, N, D), f32),
            jax.ShapeDtypeStruct((R, N, D), f32),
        ],
    )(meta_xs, nt2, Wk, bk, Wq, bq, Wv, bv, bdk, bdv)

    khf = kh.reshape(R * N, D)
    vhf = vh.reshape(R * N, D)

    qe, ke, ve = _make_gather(E, N, D, R)(dst, eidx, q, khf, vhf)

    DH = D // 2
    W = DH + 16
    B2 = 2560
    grid2 = E // B2
    msga, msgb = pl.pallas_call(
        _att_body,
        grid=(grid2,),
        in_specs=[
            pl.BlockSpec((B2, D), lambda i: (i, 0)),
            pl.BlockSpec((B2, D), lambda i: (i, 0)),
            pl.BlockSpec((B2, D), lambda i: (i, 0)),
            pl.BlockSpec((D, H), lambda i: (0, 0)),
            pl.BlockSpec((H, DH), lambda i: (0, 0)),
            pl.BlockSpec((H, DH), lambda i: (0, 0)),
            pl.BlockSpec((H, 16), lambda i: (0, 0)),
        ],
        out_specs=[
            pl.BlockSpec((B2, W), lambda i: (i, 0)),
            pl.BlockSpec((B2, W), lambda i: (i, 0)),
        ],
        out_shape=[
            jax.ShapeDtypeStruct((E, W), f32),
            jax.ShapeDtypeStruct((E, W), f32),
        ],
    )(qe, ke, ve, S8, E8[:, :DH], E8[:, DH:], P816)

    pa, pb = _make_scatter(E, N, DH)(dst, msga, msgb)

    B3 = 1000
    grid3 = N // B3
    out = pl.pallas_call(
        _final_body,
        grid=(grid3,),
        in_specs=[
            pl.BlockSpec((_NC, B3, W), lambda i: (0, i, 0)),
            pl.BlockSpec((_NC, B3, W), lambda i: (0, i, 0)),
            pl.BlockSpec((B3, D), lambda i: (i, 0)),
            pl.BlockSpec((B3, 1), lambda i: (i, 0)),
            pl.BlockSpec((T, DH, D), lambda i: (0, 0, 0)),
            pl.BlockSpec((T, DH, D), lambda i: (0, 0, 0)),
            pl.BlockSpec((T, D), lambda i: (0, 0)),
            pl.BlockSpec((1, T), lambda i: (0, 0)),
            pl.BlockSpec((T, D), lambda i: (0, 0)),
            pl.BlockSpec((T, D), lambda i: (0, 0)),
            pl.BlockSpec((16, DH), lambda i: (0, 0)),
            pl.BlockSpec((16, DH), lambda i: (0, 0)),
        ],
        out_specs=pl.BlockSpec((B3, D), lambda i: (i, 0)),
        out_shape=jax.ShapeDtypeStruct((N, D), f32),
    )(pa, pb, meta_xs, nt2, Wa[:, :DH, :], Wa[:, DH:, :],
      ba, skip.reshape(1, T), ln_g, ln_b, M16[:, :DH], M16[:, DH:])

    return out

# --- scband reference (transcript-rebuilt; emitter-appended) ---
"""Pipeline reference for scband-general-conv-18940805775383 (READ-ONLY COPY).

The authoritative reference and input builder live on the scoring server;
editing this copy changes nothing except your own understanding.
"""

import jax, jax.numpy as jnp
import numpy as np
import math

N = 10000
E = 320000
D = 128
T = 3
R = 5
H = 8
DK = D // H

def setup_inputs(seed: int = 0):
    key = jax.random.key(seed)
    ks = jax.random.split(key, 16)
    x = jax.random.normal(ks[0], (N, D), dtype=jnp.float32)
    node_type = jax.random.randint(ks[1], (N,), 0, T)
    edge_index = jax.random.randint(ks[2], (2, E), 0, N)
    edge_type = jax.random.randint(ks[3], (E,), 0, R)
    s = 1.0 / math.sqrt(D)
    Wk = jax.random.normal(ks[4], (T, D, D), dtype=jnp.float32) * s
    Wq = jax.random.normal(ks[5], (T, D, D), dtype=jnp.float32) * s
    Wv = jax.random.normal(ks[6], (T, D, D), dtype=jnp.float32) * s
    Wa = jax.random.normal(ks[7], (T, D, D), dtype=jnp.float32) * s
    bk = jnp.zeros((T, D), jnp.float32)
    bq = jnp.zeros((T, D), jnp.float32)
    bv = jnp.zeros((T, D), jnp.float32)
    ba = jnp.zeros((T, D), jnp.float32)
    gl = math.sqrt(6.0 / (DK + DK))
    rel_att = jax.random.uniform(ks[8], (R, H, DK, DK), minval=-gl, maxval=gl, dtype=jnp.float32)
    rel_msg = jax.random.uniform(ks[9], (R, H, DK, DK), minval=-gl, maxval=gl, dtype=jnp.float32)
    rel_pri = jnp.ones((R, H), jnp.float32)
    skip = jnp.ones((T,), jnp.float32)
    ln_g = jnp.ones((T, D), jnp.float32)
    ln_b = jnp.zeros((T, D), jnp.float32)
    return {"meta_xs": x, "node_type": node_type, "edge_index": edge_index, "edge_type": edge_type,
            "Wk": Wk, "bk": bk, "Wq": Wq, "bq": bq, "Wv": Wv, "bv": bv, "Wa": Wa, "ba": ba,
            "ln_g": ln_g, "ln_b": ln_b, "rel_pri": rel_pri, "rel_att": rel_att, "rel_msg": rel_msg, "skip": skip}

def reference(meta_xs, node_type, edge_index, edge_type, Wk, bk, Wq, bq, Wv, bv, Wa, ba, ln_g, ln_b, rel_pri, rel_att, rel_msg, skip):
    n = meta_xs.shape[0]
    # per-node type-specific K/Q/V linears (faithful to looping over node types)
    K = jnp.einsum('ni,nio->no', meta_xs, Wk[node_type]) + bk[node_type]
    Q = jnp.einsum('ni,nio->no', meta_xs, Wq[node_type]) + bq[node_type]
    V = jnp.einsum('ni,nio->no', meta_xs, Wv[node_type]) + bv[node_type]
    K = K.reshape(n, H, DK); Q = Q.reshape(n, H, DK); V = V.reshape(n, H, DK)
    src = edge_index[0]; dst = edge_index[1]
    # per-edge relation-specific transforms
    k_e = jnp.einsum('ehd,ehdf->ehf', K[src], rel_att[edge_type])
    att = (Q[dst] * k_e).sum(-1) * rel_pri[edge_type] / math.sqrt(DK)
    v_e = jnp.einsum('ehd,ehdf->ehf', V[src], rel_msg[edge_type])
    # scatter softmax over edges grouped by destination node
    m = jax.ops.segment_max(att, dst, num_segments=n)
    m = jnp.where(jnp.isfinite(m), m, 0.0)
    ex = jnp.exp(att - m[dst])
    den = jax.ops.segment_sum(ex, dst, num_segments=n)
    alpha = ex / (den[dst] + 1e-16)
    msg = (v_e * alpha[:, :, None]).reshape(-1, D)
    aggr = jax.ops.segment_sum(msg, dst, num_segments=n)
    # update step (dropout is identity in eval)
    aggr = jax.nn.gelu(aggr, approximate=False)
    trans = jnp.einsum('ni,nio->no', aggr, Wa[node_type]) + ba[node_type]
    a = jax.nn.sigmoid(skip[node_type])[:, None]
    pre = trans * a + meta_xs * (1.0 - a)
    mu = pre.mean(-1, keepdims=True)
    var = ((pre - mu) ** 2).mean(-1, keepdims=True)
    normed = (pre - mu) / jnp.sqrt(var + 1e-5)
    return normed * ln_g[node_type] + ln_b[node_type]

if __name__ == "__main__":
    import jax
    _d = setup_inputs()
    print(jax.jit(kernel)(*tuple(_d.values())))

</pallas_src>

<mosaic_0001>
#map = affine_map<(d0, d1) -> (0)>
#map1 = affine_map<(d0, d1) -> (0, 0)>
module attributes {stable_mosaic.version = 14 : i64} {
  func.func @gather(%arg0: i32, %arg1: i32, %arg2: memref<320000xi32, #tpu.memory_space<hbm>>, %arg3: memref<320000xi32, #tpu.memory_space<hbm>>, %arg4: memref<10000x128xf32, #tpu.memory_space<hbm>>, %arg5: memref<50000x128xf32, #tpu.memory_space<hbm>>, %arg6: memref<50000x128xf32, #tpu.memory_space<hbm>>, %arg7: memref<320000x128xf32, #tpu.memory_space<hbm>>, %arg8: memref<320000x128xf32, #tpu.memory_space<hbm>>, %arg9: memref<320000x128xf32, #tpu.memory_space<hbm>>, %arg10: memref<80xi32, #tpu.memory_space<vmem>>, %arg11: memref<80xi32, #tpu.memory_space<vmem>>, %arg12: memref<80x128xf32, #tpu.memory_space<vmem>>, %arg13: memref<80x128xf32, #tpu.memory_space<vmem>>, %arg14: memref<80x128xf32, #tpu.memory_space<vmem>>, %arg15: memref<!tpu.dma_semaphore, #tpu.memory_space<semaphore_mem>>, %arg16: memref<!tpu.dma_semaphore, #tpu.memory_space<semaphore_mem>>, %arg17: memref<!tpu.dma_semaphore, #tpu.memory_space<semaphore_mem>>) attributes {dimension_semantics = [#tpu.dimension_semantics<core_parallel>, #tpu.dimension_semantics<subcore_parallel>], iteration_bounds = array<i64: 2, 16>, scalar_prefetch = 0 : i64, scratch_operands = 8 : i64, tpu.core_type = #tpu.core_type<sc_vector_subcore>, window_params = [{transform_indices = #map}, {transform_indices = #map}, {transform_indices = #map1}, {transform_indices = #map1}, {transform_indices = #map1}, {transform_indices = #map1}, {transform_indices = #map1}, {transform_indices = #map1}]} {
    %mul3A = arith.constant 2 : i32
    %mul3A_0 = arith.muli %arg1, %mul3A : i32
    %add3A = arith.addi %mul3A_0, %arg0 : i32
    %mul3A_1 = arith.constant 10000 : i32
    %mul3A_2 = arith.muli %add3A, %mul3A_1 : i32
    %scan3A = arith.constant 0 : i32
    %scan3A_3 = arith.constant 0 : i32
    %scan3A_4 = arith.constant 125 : i32
    %scan3A_5 = arith.addi %scan3A_3, %scan3A_4 : i32
    %scan3A_6 = arith.constant 1 : i32
    scf.for %scan3A_8 = %scan3A_3 to %scan3A_5 step %scan3A_6  : i32 {
      %mul3A_9 = arith.constant 80 : i32
      %mul3A_10 = arith.muli %scan3A_8, %mul3A_9 : i32
      %add3A_11 = arith.addi %mul3A_2, %mul3A_10 : i32
      "tpu.region"() ({
        %run_scoped3A = tpu.sem_alloc : memref<!tpu.dma_semaphore, #tpu.memory_space<semaphore_mem>>
        %dma_start3A_28 = tpu.memref_slice %arg2[%add3A_11] : memref<320000xi32, #tpu.memory_space<hbm>> -> memref<80xi32, #tpu.memory_space<hbm>>
        %dma_start3A_29 = tpu.memref_slice %arg2[%add3A_11] : memref<320000xi32, #tpu.memory_space<hbm>> -> memref<80xi32, #tpu.memory_space<hbm>>
        tpu.enqueue_dma source(%dma_start3A_29 : memref<80xi32, #tpu.memory_space<hbm>>) target(%arg10 : memref<80xi32, #tpu.memory_space<vmem>>) target_semaphore(%run_scoped3A : memref<!tpu.dma_semaphore, #tpu.memory_space<semaphore_mem>>)
        %dma_wait3A_30 = tpu.memref_slice %arg2[%add3A_11] : memref<320000xi32, #tpu.memory_space<hbm>> -> memref<80xi32, #tpu.memory_space<hbm>>
        %dma_wait3A_31 = tpu.memref_slice %arg2[%add3A_11] : memref<320000xi32, #tpu.memory_space<hbm>> -> memref<80xi32, #tpu.memory_space<hbm>>
        tpu.wait_dma2 semaphore(%run_scoped3A : memref<!tpu.dma_semaphore, #tpu.memory_space<semaphore_mem>>) src(%dma_wait3A_31 : memref<80xi32, #tpu.memory_space<hbm>>) dst(%arg10 : memref<80xi32, #tpu.memory_space<vmem>>)
        tpu.yield
      }) : () -> ()
      "tpu.region"() ({
        %run_scoped3A = tpu.sem_alloc : memref<!tpu.dma_semaphore, #tpu.memory_space<semaphore_mem>>
        %dma_start3A_28 = tpu.memref_slice %arg3[%add3A_11] : memref<320000xi32, #tpu.memory_space<hbm>> -> memref<80xi32, #tpu.memory_space<hbm>>
        %dma_start3A_29 = tpu.memref_slice %arg3[%add3A_11] : memref<320000xi32, #tpu.memory_space<hbm>> -> memref<80xi32, #tpu.memory_space<hbm>>
        tpu.enqueue_dma source(%dma_start3A_29 : memref<80xi32, #tpu.memory_space<hbm>>) target(%arg11 : memref<80xi32, #tpu.memory_space<vmem>>) target_semaphore(%run_scoped3A : memref<!tpu.dma_semaphore, #tpu.memory_space<semaphore_mem>>)
        %dma_wait3A_30 = tpu.memref_slice %arg3[%add3A_11] : memref<320000xi32, #tpu.memory_space<hbm>> -> memref<80xi32, #tpu.memory_space<hbm>>
        %dma_wait3A_31 = tpu.memref_slice %arg3[%add3A_11] : memref<320000xi32, #tpu.memory_space<hbm>> -> memref<80xi32, #tpu.memory_space<hbm>>
        tpu.wait_dma2 semaphore(%run_scoped3A : memref<!tpu.dma_semaphore, #tpu.memory_space<semaphore_mem>>) src(%dma_wait3A_31 : memref<80xi32, #tpu.memory_space<hbm>>) dst(%arg11 : memref<80xi32, #tpu.memory_space<vmem>>)
        tpu.yield
      }) : () -> ()
      %dma_start3A = arith.constant 0 : i32
      %dma_start3A_12 = arith.constant 0 : i32
      %dma_start3A_13 = tpu.memref_slice %arg4[%dma_start3A, %dma_start3A_12] : memref<10000x128xf32, #tpu.memory_space<hbm>> -> memref<10000x128xf32, #tpu.memory_space<hbm>>
      tpu.enqueue_indirect_dma source(%dma_start3A_13 : memref<10000x128xf32, #tpu.memory_space<hbm>>) target(%arg12 : memref<80x128xf32, #tpu.memory_space<vmem>>) offsets(%arg10 : memref<80xi32, #tpu.memory_space<vmem>>) semaphore(%arg15 : memref<!tpu.dma_semaphore, #tpu.memory_space<semaphore_mem>>)
      %dma_start3A_14 = arith.constant 0 : i32
      %dma_start3A_15 = arith.constant 0 : i32
      %dma_start3A_16 = tpu.memref_slice %arg5[%dma_start3A_14, %dma_start3A_15] : memref<50000x128xf32, #tpu.memory_space<hbm>> -> memref<50000x128xf32, #tpu.memory_space<hbm>>
      tpu.enqueue_indirect_dma source(%dma_start3A_16 : memref<50000x128xf32, #tpu.memory_space<hbm>>) target(%arg13 : memref<80x128xf32, #tpu.memory_space<vmem>>) offsets(%arg11 : memref<80xi32, #tpu.memory_space<vmem>>) semaphore(%arg16 : memref<!tpu.dma_semaphore, #tpu.memory_space<semaphore_mem>>)
      %dma_start3A_17 = arith.constant 0 : i32
      %dma_start3A_18 = arith.constant 0 : i32
      %dma_start3A_19 = tpu.memref_slice %arg6[%dma_start3A_17, %dma_start3A_18] : memref<50000x128xf32, #tpu.memory_space<hbm>> -> memref<50000x128xf32, #tpu.memory_space<hbm>>
      tpu.enqueue_indirect_dma source(%dma_start3A_19 : memref<50000x128xf32, #tpu.memory_space<hbm>>) target(%arg14 : memref<80x128xf32, #tpu.memory_space<vmem>>) offsets(%arg11 : memref<80xi32, #tpu.memory_space<vmem>>) semaphore(%arg17 : memref<!tpu.dma_semaphore, #tpu.memory_space<semaphore_mem>>)
      %dma_wait3A = arith.constant 0 : i32
      %dma_wait3A_20 = arith.constant 0 : i32
      %dma_wait3A_21 = tpu.memref_slice %arg4[%dma_wait3A, %dma_wait3A_20] : memref<10000x128xf32, #tpu.memory_space<hbm>> -> memref<10000x128xf32, #tpu.memory_space<hbm>>
      tpu.wait_indirect_dma semaphore(%arg15 : memref<!tpu.dma_semaphore, #tpu.memory_space<semaphore_mem>>) src(%dma_wait3A_21 : memref<10000x128xf32, #tpu.memory_space<hbm>>) dst(%arg12 : memref<80x128xf32, #tpu.memory_space<vmem>>)
      %dma_wait3A_22 = arith.constant 0 : i32
      %dma_wait3A_23 = arith.constant 0 : i32
      %dma_wait3A_24 = tpu.memref_slice %arg5[%dma_wait3A_22, %dma_wait3A_23] : memref<50000x128xf32, #tpu.memory_space<hbm>> -> memref<50000x128xf32, #tpu.memory_space<hbm>>
      tpu.wait_indirect_dma semaphore(%arg16 : memref<!tpu.dma_semaphore, #tpu.memory_space<semaphore_mem>>) src(%dma_wait3A_24 : memref<50000x128xf32, #tpu.memory_space<hbm>>) dst(%arg13 : memref<80x128xf32, #tpu.memory_space<vmem>>)
      %dma_wait3A_25 = arith.constant 0 : i32
      %dma_wait3A_26 = arith.constant 0 : i32
      %dma_wait3A_27 = tpu.memref_slice %arg6[%dma_wait3A_25, %dma_wait3A_26] : memref<50000x128xf32, #tpu.memory_space<hbm>> -> memref<50000x128xf32, #tpu.memory_space<hbm>>
      tpu.wait_indirect_dma semaphore(%arg17 : memref<!tpu.dma_semaphore, #tpu.memory_space<semaphore_mem>>) src(%dma_wait3A_27 : memref<50000x128xf32, #tpu.memory_space<hbm>>) dst(%arg14 : memref<80x128xf32, #tpu.memory_space<vmem>>)
      "tpu.region"() ({
        %run_scoped3A = tpu.sem_alloc : memref<!tpu.dma_semaphore, #tpu.memory_space<semaphore_mem>>
        %dma_start3A_28 = arith.constant 0 : i32
        %dma_start3A_29 = tpu.memref_slice %arg7[%add3A_11, %dma_start3A_28] : memref<320000x128xf32, #tpu.memory_space<hbm>> -> memref<80x128xf32, #tpu.memory_space<hbm>>
        %dma_start3A_30 = arith.constant 0 : i32
        %dma_start3A_31 = tpu.memref_slice %arg7[%add3A_11, %dma_start3A_30] : memref<320000x128xf32, #tpu.memory_space<hbm>> -> memref<80x128xf32, #tpu.memory_space<hbm>>
        tpu.enqueue_dma source(%arg12 : memref<80x128xf32, #tpu.memory_space<vmem>>) target(%dma_start3A_31 : memref<80x128xf32, #tpu.memory_space<hbm>>) target_semaphore(%run_scoped3A : memref<!tpu.dma_semaphore, #tpu.memory_space<semaphore_mem>>)
        %dma_wait3A_32 = arith.constant 0 : i32
        %dma_wait3A_33 = tpu.memref_slice %arg7[%add3A_11, %dma_wait3A_32] : memref<320000x128xf32, #tpu.memory_space<hbm>> -> memref<80x128xf32, #tpu.memory_space<hbm>>
        %dma_wait3A_34 = arith.constant 0 : i32
        %dma_wait3A_35 = tpu.memref_slice %arg7[%add3A_11, %dma_wait3A_34] : memref<320000x128xf32, #tpu.memory_space<hbm>> -> memref<80x128xf32, #tpu.memory_space<hbm>>
        tpu.wait_dma2 semaphore(%run_scoped3A : memref<!tpu.dma_semaphore, #tpu.memory_space<semaphore_mem>>) src(%arg12 : memref<80x128xf32, #tpu.memory_space<vmem>>) dst(%dma_wait3A_35 : memref<80x128xf32, #tpu.memory_space<hbm>>)
        tpu.yield
      }) : () -> ()
      "tpu.region"() ({
        %run_scoped3A = tpu.sem_alloc : memref<!tpu.dma_semaphore, #tpu.memory_space<semaphore_mem>>
        %dma_start3A_28 = arith.constant 0 : i32
        %dma_start3A_29 = tpu.memref_slice %arg8[%add3A_11, %dma_start3A_28] : memref<320000x128xf32, #tpu.memory_space<hbm>> -> memref<80x128xf32, #tpu.memory_space<hbm>>
        %dma_start3A_30 = arith.constant 0 : i32
        %dma_start3A_31 = tpu.memref_slice %arg8[%add3A_11, %dma_start3A_30] : memref<320000x128xf32, #tpu.memory_space<hbm>> -> memref<80x128xf32, #tpu.memory_space<hbm>>
        tpu.enqueue_dma source(%arg13 : memref<80x128xf32, #tpu.memory_space<vmem>>) target(%dma_start3A_31 : memref<80x128xf32, #tpu.memory_space<hbm>>) target_semaphore(%run_scoped3A : memref<!tpu.dma_semaphore, #tpu.memory_space<semaphore_mem>>)
        %dma_wait3A_32 = arith.constant 0 : i32
        %dma_wait3A_33 = tpu.memref_slice %arg8[%add3A_11, %dma_wait3A_32] : memref<320000x128xf32, #tpu.memory_space<hbm>> -> memref<80x128xf32, #tpu.memory_space<hbm>>
        %dma_wait3A_34 = arith.constant 0 : i32
        %dma_wait3A_35 = tpu.memref_slice %arg8[%add3A_11, %dma_wait3A_34] : memref<320000x128xf32, #tpu.memory_space<hbm>> -> memref<80x128xf32, #tpu.memory_space<hbm>>
        tpu.wait_dma2 semaphore(%run_scoped3A : memref<!tpu.dma_semaphore, #tpu.memory_space<semaphore_mem>>) src(%arg13 : memref<80x128xf32, #tpu.memory_space<vmem>>) dst(%dma_wait3A_35 : memref<80x128xf32, #tpu.memory_space<hbm>>)
        tpu.yield
      }) : () -> ()
      "tpu.region"() ({
        %run_scoped3A = tpu.sem_alloc : memref<!tpu.dma_semaphore, #tpu.memory_space<semaphore_mem>>
        %dma_start3A_28 = arith.constant 0 : i32
        %dma_start3A_29 = tpu.memref_slice %arg9[%add3A_11, %dma_start3A_28] : memref<320000x128xf32, #tpu.memory_space<hbm>> -> memref<80x128xf32, #tpu.memory_space<hbm>>
        %dma_start3A_30 = arith.constant 0 : i32
        %dma_start3A_31 = tpu.memref_slice %arg9[%add3A_11, %dma_start3A_30] : memref<320000x128xf32, #tpu.memory_space<hbm>> -> memref<80x128xf32, #tpu.memory_space<hbm>>
        tpu.enqueue_dma source(%arg14 : memref<80x128xf32, #tpu.memory_space<vmem>>) target(%dma_start3A_31 : memref<80x128xf32, #tpu.memory_space<hbm>>) target_semaphore(%run_scoped3A : memref<!tpu.dma_semaphore, #tpu.memory_space<semaphore_mem>>)
        %dma_wait3A_32 = arith.constant 0 : i32
        %dma_wait3A_33 = tpu.memref_slice %arg9[%add3A_11, %dma_wait3A_32] : memref<320000x128xf32, #tpu.memory_space<hbm>> -> memref<80x128xf32, #tpu.memory_space<hbm>>
        %dma_wait3A_34 = arith.constant 0 : i32
        %dma_wait3A_35 = tpu.memref_slice %arg9[%add3A_11, %dma_wait3A_34] : memref<320000x128xf32, #tpu.memory_space<hbm>> -> memref<80x128xf32, #tpu.memory_space<hbm>>
        tpu.wait_dma2 semaphore(%run_scoped3A : memref<!tpu.dma_semaphore, #tpu.memory_space<semaphore_mem>>) src(%arg14 : memref<80x128xf32, #tpu.memory_space<vmem>>) dst(%dma_wait3A_35 : memref<80x128xf32, #tpu.memory_space<hbm>>)
        tpu.yield
      }) : () -> ()
    }
    %scan3A_7 = arith.constant 125 : i32
    return
  }
}

#map = affine_map<(d0, d1) -> (0)>
#map1 = affine_map<(d0, d1) -> (0, 0)>
#map2 = affine_map<(d0, d1) -> (0, 0, 0)>
module attributes {stable_mosaic.version = 14 : i64} {
  func.func @scatter(%arg0: i32, %arg1: i32, %arg2: memref<320000xi32, #tpu.memory_space<hbm>>, %arg3: memref<320000x80xf32, #tpu.memory_space<hbm>>, %arg4: memref<320000x80xf32, #tpu.memory_space<hbm>>, %arg5: memref<2x10000x80xf32, #tpu.memory_space<hbm>>, %arg6: memref<2x10000x80xf32, #tpu.memory_space<hbm>>, %arg7: memref<80xi32, #tpu.memory_space<vmem>>, %arg8: memref<80xi32, #tpu.memory_space<vmem>>, %arg9: memref<80x80xf32, #tpu.memory_space<vmem>>, %arg10: memref<80x80xf32, #tpu.memory_space<vmem>>, %arg11: memref<200x80xf32, #tpu.memory_space<vmem>>, %arg12: memref<10000x80xf32, #tpu.memory_space<vmem_shared>>, %arg13: memref<!tpu.dma_semaphore, #tpu.memory_space<semaphore_mem>>, %arg14: memref<!tpu.dma_semaphore, #tpu.memory_space<semaphore_mem>>, %arg15: memref<!tpu.dma_semaphore, #tpu.memory_space<semaphore_mem>>, %arg16: memref<!tpu.dma_semaphore, #tpu.memory_space<semaphore_mem>>) attributes {dimension_semantics = [#tpu.dimension_semantics<core_parallel>, #tpu.dimension_semantics<subcore_parallel>], iteration_bounds = array<i64: 2, 16>, scalar_prefetch = 0 : i64, scratch_operands = 10 : i64, tpu.core_type = #tpu.core_type<sc_vector_subcore>, window_params = [{transform_indices = #map}, {transform_indices = #map1}, {transform_indices = #map1}, {transform_indices = #map2}, {transform_indices = #map2}]} {
    %mul3A = arith.constant 2 : i32
    %mul3A_0 = arith.muli %arg1, %mul3A : i32
    %add3A = arith.addi %mul3A_0, %arg0 : i32
    %mul3A_1 = arith.constant 10000 : i32
    %mul3A_2 = arith.muli %add3A, %mul3A_1 : i32
    %broadcast_in_dim3A = arith.constant 0.000000e+00 : f32
    %broadcast_in_dim3A_3 = vector.broadcast %broadcast_in_dim3A : f32 to vector<16xf32>
    %scan3A = arith.constant 0 : i32
    %scan3A_4 = arith.constant 0 : i32
    %scan3A_5 = arith.constant 200 : i32
    %scan3A_6 = arith.addi %scan3A_4, %scan3A_5 : i32
    %scan3A_7 = arith.constant 1 : i32
    scf.for %scan3A_76 = %scan3A_4 to %scan3A_6 step %scan3A_7  : i32 {
      %swap3A = arith.index_cast %scan3A_76 : i32 to index
      %swap3A_77 = arith.constant 0 : index
      %swap3A_78 = tpu.vector_load %arg11[%swap3A, %swap3A_77] {strides = array<i32>} : memref<200x80xf32, #tpu.memory_space<vmem>>, vector<1x16xf32>,
      %swap3A_79 = vector.shape_cast %swap3A_78 : vector<1x16xf32> to vector<16xf32>
      %swap3A_80 = vector.shape_cast %broadcast_in_dim3A_3 : vector<16xf32> to vector<1x16xf32>
      tpu.vector_store %arg11[%swap3A, %swap3A_77], %swap3A_80 {strides = array<i32>} : memref<200x80xf32, #tpu.memory_space<vmem>>, vector<1x16xf32>,
      %swap3A_81 = arith.index_cast %scan3A_76 : i32 to index
      %swap3A_82 = arith.constant 16 : index
      %swap3A_83 = tpu.vector_load %arg11[%swap3A_81, %swap3A_82] {strides = array<i32>} : memref<200x80xf32, #tpu.memory_space<vmem>>, vector<1x16xf32>,
      %swap3A_84 = vector.shape_cast %swap3A_83 : vector<1x16xf32> to vector<16xf32>
      %swap3A_85 = vector.shape_cast %broadcast_in_dim3A_3 : vector<16xf32> to vector<1x16xf32>
      tpu.vector_store %arg11[%swap3A_81, %swap3A_82], %swap3A_85 {strides = array<i32>} : memref<200x80xf32, #tpu.memory_space<vmem>>, vector<1x16xf32>,
      %swap3A_86 = arith.index_cast %scan3A_76 : i32 to index
      %swap3A_87 = arith.constant 32 : index
      %swap3A_88 = tpu.vector_load %arg11[%swap3A_86, %swap3A_87] {strides = array<i32>} : memref<200x80xf32, #tpu.memory_space<vmem>>, vector<1x16xf32>,
      %swap3A_89 = vector.shape_cast %swap3A_88 : vector<1x16xf32> to vector<16xf32>
      %swap3A_90 = vector.shape_cast %broadcast_in_dim3A_3 : vector<16xf32> to vector<1x16xf32>
      tpu.vector_store %arg11[%swap3A_86, %swap3A_87], %swap3A_90 {strides = array<i32>} : memref<200x80xf32, #tpu.memory_space<vmem>>, vector<1x16xf32>,
      %swap3A_91 = arith.index_cast %scan3A_76 : i32 to index
      %swap3A_92 = arith.constant 48 : index
      %swap3A_93 = tpu.vector_load %arg11[%swap3A_91, %swap3A_92] {strides = array<i32>} : memref<200x80xf32, #tpu.memory_space<vmem>>, vector<1x16xf32>,
      %swap3A_94 = vector.shape_cast %swap3A_93 : vector<1x16xf32> to vector<16xf32>
      %swap3A_95 = vector.shape_cast %broadcast_in_dim3A_3 : vector<16xf32> to vector<1x16xf32>
      tpu.vector_store %arg11[%swap3A_91, %swap3A_92], %swap3A_95 {strides = array<i32>} : memref<200x80xf32, #tpu.memory_space<vmem>>, vector<1x16xf32>,
      %swap3A_96 = arith.index_cast %scan3A_76 : i32 to index
      %swap3A_97 = arith.constant 64 : index
      %swap3A_98 = tpu.vector_load %arg11[%swap3A_96, %swap3A_97] {strides = array<i32>} : memref<200x80xf32, #tpu.memory_space<vmem>>, vector<1x16xf32>,
      %swap3A_99 = vector.shape_cast %swap3A_98 : vector<1x16xf32> to vector<16xf32>
      %swap3A_100 = vector.shape_cast %broadcast_in_dim3A_3 : vector<16xf32> to vector<1x16xf32>
      tpu.vector_store %arg11[%swap3A_96, %swap3A_97], %swap3A_100 {strides = array<i32>} : memref<200x80xf32, #tpu.memory_space<vmem>>, vector<1x16xf32>,
    }
    %scan3A_8 = arith.constant 200 : i32
    %lt3A = arith.constant 10 : i32
    %lt3A_9 = arith.cmpi slt, %arg1, %lt3A : i32
    %convert_element_type3A = arith.extui %lt3A_9 : i1 to i32
    %cond3A = arith.constant 0 : i32
    %cond3A_10 = arith.cmpi ne, %convert_element_type3A, %cond3A : i32
    scf.if %cond3A_10 {
      %scan3A_76 = arith.constant 0 : i32
      %scan3A_77 = arith.constant 0 : i32
      %scan3A_78 = arith.constant 5 : i32
      %scan3A_79 = arith.addi %scan3A_77, %scan3A_78 : i32
      %scan3A_80 = arith.constant 1 : i32
      scf.for %scan3A_82 = %scan3A_77 to %scan3A_79 step %scan3A_80  : i32 {
        %mul3A_83 = arith.constant 1000 : i32
        %mul3A_84 = arith.muli %arg1, %mul3A_83 : i32
        %mul3A_85 = arith.constant 200 : i32
        %mul3A_86 = arith.muli %scan3A_82, %mul3A_85 : i32
        %add3A_87 = arith.addi %mul3A_84, %mul3A_86 : i32
        "tpu.region"() ({
          %run_scoped3A = tpu.sem_alloc : memref<!tpu.dma_semaphore, #tpu.memory_space<semaphore_mem>>
          %dma_start3A_88 = arith.constant 0 : i32
          %dma_start3A_89 = tpu.memref_slice %arg12[%add3A_87, %dma_start3A_88] : memref<10000x80xf32, #tpu.memory_space<vmem_shared>> -> memref<200x80xf32, #tpu.memory_space<vmem_shared>>
          %dma_start3A_90 = arith.constant 0 : i32
          %dma_start3A_91 = tpu.memref_slice %arg12[%add3A_87, %dma_start3A_90] : memref<10000x80xf32, #tpu.memory_space<vmem_shared>> -> memref<200x80xf32, #tpu.memory_space<vmem_shared>>
          tpu.enqueue_dma source(%arg11 : memref<200x80xf32, #tpu.memory_space<vmem>>) target(%dma_start3A_91 : memref<200x80xf32, #tpu.memory_space<vmem_shared>>) target_semaphore(%run_scoped3A : memref<!tpu.dma_semaphore, #tpu.memory_space<semaphore_mem>>)
          %dma_wait3A_92 = arith.constant 0 : i32
          %dma_wait3A_93 = tpu.memref_slice %arg12[%add3A_87, %dma_wait3A_92] : memref<10000x80xf32, #tpu.memory_space<vmem_shared>> -> memref<200x80xf32, #tpu.memory_space<vmem_shared>>
          %dma_wait3A_94 = arith.constant 0 : i32
          %dma_wait3A_95 = tpu.memref_slice %arg12[%add3A_87, %dma_wait3A_94] : memref<10000x80xf32, #tpu.memory_space<vmem_shared>> -> memref<200x80xf32, #tpu.memory_space<vmem_shared>>
          tpu.wait_dma2 semaphore(%run_scoped3A : memref<!tpu.dma_semaphore, #tpu.memory_space<semaphore_mem>>) src(%arg11 : memref<200x80xf32, #tpu.memory_space<vmem>>) dst(%dma_wait3A_95 : memref<200x80xf32, #tpu.memory_space<vmem_shared>>)
          tpu.yield
        }) : () -> ()
      }
      %scan3A_81 = arith.constant 5 : i32
    } else {
    }
    %barrier3A = arith.constant 0 : index
    tpu.barrier barrier_id(%barrier3A)
    %add3A_11 = arith.constant 0 : i32
    %add3A_12 = arith.addi %mul3A_2, %add3A_11 : i32
    %dma_start3A = tpu.memref_slice %arg2[%add3A_12] : memref<320000xi32, #tpu.memory_space<hbm>> -> memref<80xi32, #tpu.memory_space<hbm>>
    %dma_start3A_13 = tpu.memref_slice %arg2[%add3A_12] : memref<320000xi32, #tpu.memory_space<hbm>> -> memref<80xi32, #tpu.memory_space<hbm>>
    tpu.enqueue_dma source(%dma_start3A_13 : memref<80xi32, #tpu.memory_space<hbm>>) target(%arg7 : memref<80xi32, #tpu.memory_space<vmem>>) target_semaphore(%arg13 : memref<!tpu.dma_semaphore, #tpu.memory_space<semaphore_mem>>)
    %dma_start3A_14 = arith.constant 0 : i32
    %dma_start3A_15 = tpu.memref_slice %arg3[%add3A_12, %dma_start3A_14] : memref<320000x80xf32, #tpu.memory_space<hbm>> -> memref<80x80xf32, #tpu.memory_space<hbm>>
    %dma_start3A_16 = arith.constant 0 : i32
    %dma_start3A_17 = tpu.memref_slice %arg3[%add3A_12, %dma_start3A_16] : memref<320000x80xf32, #tpu.memory_space<hbm>> -> memref<80x80xf32, #tpu.memory_space<hbm>>
    tpu.enqueue_dma source(%dma_start3A_17 : memref<80x80xf32, #tpu.memory_space<hbm>>) target(%arg9 : memref<80x80xf32, #tpu.memory_space<vmem>>) target_semaphore(%arg15 : memref<!tpu.dma_semaphore, #tpu.memory_space<semaphore_mem>>)
    %scan3A_18 = arith.constant 0 : i32
    %scan3A_19 = arith.constant 0 : i32
    %scan3A_20 = arith.constant 62 : i32
    %scan3A_21 = arith.addi %scan3A_19, %scan3A_20 : i32
    %scan3A_22 = arith.constant 1 : i32
    scf.for %scan3A_76 = %scan3A_19 to %scan3A_21 step %scan3A_22  : i32 {
      %mul3A_77 = arith.constant 2 : i32
      %mul3A_78 = arith.muli %mul3A_77, %scan3A_76 : i32
      %add3A_79 = arith.constant 1 : i32
      %add3A_80 = arith.addi %mul3A_78, %add3A_79 : i32
      %mul3A_81 = arith.constant 80 : i32
      %mul3A_82 = arith.muli %add3A_80, %mul3A_81 : i32
      %add3A_83 = arith.addi %mul3A_2, %mul3A_82 : i32
      %dma_start3A_84 = tpu.memref_slice %arg2[%add3A_83] : memref<320000xi32, #tpu.memory_space<hbm>> -> memref<80xi32, #tpu.memory_space<hbm>>
      %dma_start3A_85 = tpu.memref_slice %arg2[%add3A_83] : memref<320000xi32, #tpu.memory_space<hbm>> -> memref<80xi32, #tpu.memory_space<hbm>>
      tpu.enqueue_dma source(%dma_start3A_85 : memref<80xi32, #tpu.memory_space<hbm>>) target(%arg8 : memref<80xi32, #tpu.memory_space<vmem>>) target_semaphore(%arg14 : memref<!tpu.dma_semaphore, #tpu.memory_space<semaphore_mem>>)
      %dma_start3A_86 = arith.constant 0 : i32
      %dma_start3A_87 = tpu.memref_slice %arg3[%add3A_83, %dma_start3A_86] : memref<320000x80xf32, #tpu.memory_space<hbm>> -> memref<80x80xf32, #tpu.memory_space<hbm>>
      %dma_start3A_88 = arith.constant 0 : i32
      %dma_start3A_89 = tpu.memref_slice %arg3[%add3A_83, %dma_start3A_88] : memref<320000x80xf32, #tpu.memory_space<hbm>> -> memref<80x80xf32, #tpu.memory_space<hbm>>
      tpu.enqueue_dma source(%dma_start3A_89 : memref<80x80xf32, #tpu.memory_space<hbm>>) target(%arg10 : memref<80x80xf32, #tpu.memory_space<vmem>>) target_semaphore(%arg16 : memref<!tpu.dma_semaphore, #tpu.memory_space<semaphore_mem>>)
      %dma_wait3A_90 = arith.constant 0 : i32
      %dma_wait3A_91 = tpu.memref_slice %arg2[%dma_wait3A_90] : memref<320000xi32, #tpu.memory_space<hbm>> -> memref<80xi32, #tpu.memory_space<hbm>>
      %dma_wait3A_92 = arith.constant 0 : i32
      %dma_wait3A_93 = tpu.memref_slice %arg2[%dma_wait3A_92] : memref<320000xi32, #tpu.memory_space<hbm>> -> memref<80xi32, #tpu.memory_space<hbm>>
      tpu.wait_dma2 semaphore(%arg13 : memref<!tpu.dma_semaphore, #tpu.memory_space<semaphore_mem>>) src(%dma_wait3A_93 : memref<80xi32, #tpu.memory_space<hbm>>) dst(%arg7 : memref<80xi32, #tpu.memory_space<vmem>>)
      %dma_wait3A_94 = arith.constant 0 : i32
      %dma_wait3A_95 = arith.constant 0 : i32
      %dma_wait3A_96 = tpu.memref_slice %arg3[%dma_wait3A_94, %dma_wait3A_95] : memref<320000x80xf32, #tpu.memory_space<hbm>> -> memref<80x80xf32, #tpu.memory_space<hbm>>
      %dma_wait3A_97 = arith.constant 0 : i32
      %dma_wait3A_98 = arith.constant 0 : i32
      %dma_wait3A_99 = tpu.memref_slice %arg3[%dma_wait3A_97, %dma_wait3A_98] : memref<320000x80xf32, #tpu.memory_space<hbm>> -> memref<80x80xf32, #tpu.memory_space<hbm>>
      tpu.wait_dma2 semaphore(%arg15 : memref<!tpu.dma_semaphore, #tpu.memory_space<semaphore_mem>>) src(%dma_wait3A_99 : memref<80x80xf32, #tpu.memory_space<hbm>>) dst(%arg9 : memref<80x80xf32, #tpu.memory_space<vmem>>)
      "tpu.region"() ({
        %run_scoped3A = tpu.sem_alloc : memref<!tpu.dma_semaphore, #tpu.memory_space<semaphore_mem>>
        %dma_start3A_117 = arith.constant 0 : i32
        %dma_start3A_118 = arith.constant 0 : i32
        %dma_start3A_119 = tpu.memref_slice %arg12[%dma_start3A_117, %dma_start3A_118] : memref<10000x80xf32, #tpu.memory_space<vmem_shared>> -> memref<10000x80xf32, #tpu.memory_space<vmem_shared>>
        tpu.enqueue_indirect_dma source(%arg9 : memref<80x80xf32, #tpu.memory_space<vmem>>) target(%dma_start3A_119 : memref<10000x80xf32, #tpu.memory_space<vmem_shared>>) offsets(%arg7 : memref<80xi32, #tpu.memory_space<vmem>>) semaphore(%run_scoped3A : memref<!tpu.dma_semaphore, #tpu.memory_space<semaphore_mem>>) {add = true}
        %dma_wait3A_120 = arith.constant 0 : i32
        %dma_wait3A_121 = arith.constant 0 : i32
        %dma_wait3A_122 = tpu.memref_slice %arg12[%dma_wait3A_120, %dma_wait3A_121] : memref<10000x80xf32, #tpu.memory_space<vmem_shared>> -> memref<10000x80xf32, #tpu.memory_space<vmem_shared>>
        tpu.wait_indirect_dma semaphore(%run_scoped3A : memref<!tpu.dma_semaphore, #tpu.memory_space<semaphore_mem>>) src(%arg9 : memref<80x80xf32, #tpu.memory_space<vmem>>) dst(%dma_wait3A_122 : memref<10000x80xf32, #tpu.memory_space<vmem_shared>>)
        tpu.yield
      }) : () -> ()
      %add3A_100 = arith.constant 2 : i32
      %add3A_101 = arith.addi %mul3A_78, %add3A_100 : i32
      %lt3A_102 = arith.constant 125 : i32
      %lt3A_103 = arith.cmpi slt, %add3A_101, %lt3A_102 : i32
      %convert_element_type3A_104 = arith.extui %lt3A_103 : i1 to i32
      %cond3A_105 = arith.constant 0 : i32
      %cond3A_106 = arith.cmpi ne, %convert_element_type3A_104, %cond3A_105 : i32
      scf.if %cond3A_106 {
        %add3A_117 = arith.constant 2 : i32
        %add3A_118 = arith.addi %mul3A_78, %add3A_117 : i32
        %mul3A_119 = arith.constant 80 : i32
        %mul3A_120 = arith.muli %add3A_118, %mul3A_119 : i32
        %add3A_121 = arith.addi %mul3A_2, %mul3A_120 : i32
        %dma_start3A_122 = tpu.memref_slice %arg2[%add3A_121] : memref<320000xi32, #tpu.memory_space<hbm>> -> memref<80xi32, #tpu.memory_space<hbm>>
        %dma_start3A_123 = tpu.memref_slice %arg2[%add3A_121] : memref<320000xi32, #tpu.memory_space<hbm>> -> memref<80xi32, #tpu.memory_space<hbm>>
        tpu.enqueue_dma source(%dma_start3A_123 : memref<80xi32, #tpu.memory_space<hbm>>) target(%arg7 : memref<80xi32, #tpu.memory_space<vmem>>) target_semaphore(%arg13 : memref<!tpu.dma_semaphore, #tpu.memory_space<semaphore_mem>>)
        %dma_start3A_124 = arith.constant 0 : i32
        %dma_start3A_125 = tpu.memref_slice %arg3[%add3A_121, %dma_start3A_124] : memref<320000x80xf32, #tpu.memory_space<hbm>> -> memref<80x80xf32, #tpu.memory_space<hbm>>
        %dma_start3A_126 = arith.constant 0 : i32
        %dma_start3A_127 = tpu.memref_slice %arg3[%add3A_121, %dma_start3A_126] : memref<320000x80xf32, #tpu.memory_space<hbm>> -> memref<80x80xf32, #tpu.memory_space<hbm>>
        tpu.enqueue_dma source(%dma_start3A_127 : memref<80x80xf32, #tpu.memory_space<hbm>>) target(%arg9 : memref<80x80xf32, #tpu.memory_space<vmem>>) target_semaphore(%arg15 : memref<!tpu.dma_semaphore, #tpu.memory_space<semaphore_mem>>)
      } else {
      }
      %dma_wait3A_107 = arith.constant 0 : i32
      %dma_wait3A_108 = tpu.memref_slice %arg2[%dma_wait3A_107] : memref<320000xi32, #tpu.memory_space<hbm>> -> memref<80xi32, #tpu.memory_space<hbm>>
      %dma_wait3A_109 = arith.constant 0 : i32
      %dma_wait3A_110 = tpu.memref_slice %arg2[%dma_wait3A_109] : memref<320000xi32, #tpu.memory_space<hbm>> -> memref<80xi32, #tpu.memory_space<hbm>>
      tpu.wait_dma2 semaphore(%arg14 : memref<!tpu.dma_semaphore, #tpu.memory_space<semaphore_mem>>) src(%dma_wait3A_110 : memref<80xi32, #tpu.memory_space<hbm>>) dst(%arg8 : memref<80xi32, #tpu.memory_space<vmem>>)
      %dma_wait3A_111 = arith.constant 0 : i32
      %dma_wait3A_112 = arith.constant 0 : i32
      %dma_wait3A_113 = tpu.memref_slice %arg3[%dma_wait3A_111, %dma_wait3A_112] : memref<320000x80xf32, #tpu.memory_space<hbm>> -> memref<80x80xf32, #tpu.memory_space<hbm>>
      %dma_wait3A_114 = arith.constant 0 : i32
      %dma_wait3A_115 = arith.constant 0 : i32
      %dma_wait3A_116 = tpu.memref_slice %arg3[%dma_wait3A_114, %dma_wait3A_115] : memref<320000x80xf32, #tpu.memory_space<hbm>> -> memref<80x80xf32, #tpu.memory_space<hbm>>
      tpu.wait_dma2 semaphore(%arg16 : memref<!tpu.dma_semaphore, #tpu.memory_space<semaphore_mem>>) src(%dma_wait3A_116 : memref<80x80xf32, #tpu.memory_space<hbm>>) dst(%arg10 : memref<80x80xf32, #tpu.memory_space<vmem>>)
      "tpu.region"() ({
        %run_scoped3A = tpu.sem_alloc : memref<!tpu.dma_semaphore, #tpu.memory_space<semaphore_mem>>
        %dma_start3A_117 = arith.constant 0 : i32
        %dma_start3A_118 = arith.constant 0 : i32
        %dma_start3A_119 = tpu.memref_slice %arg12[%dma_start3A_117, %dma_start3A_118] : memref<10000x80xf32, #tpu.memory_space<vmem_shared>> -> memref<10000x80xf32, #tpu.memory_space<vmem_shared>>
        tpu.enqueue_indirect_dma source(%arg10 : memref<80x80xf32, #tpu.memory_space<vmem>>) target(%dma_start3A_119 : memref<10000x80xf32, #tpu.memory_space<vmem_shared>>) offsets(%arg8 : memref<80xi32, #tpu.memory_space<vmem>>) semaphore(%run_scoped3A : memref<!tpu.dma_semaphore, #tpu.memory_space<semaphore_mem>>) {add = true}
        %dma_wait3A_120 = arith.constant 0 : i32
        %dma_wait3A_121 = arith.constant 0 : i32
        %dma_wait3A_122 = tpu.memref_slice %arg12[%dma_wait3A_120, %dma_wait3A_121] : memref<10000x80xf32, #tpu.memory_space<vmem_shared>> -> memref<10000x80xf32, #tpu.memory_space<vmem_shared>>
        tpu.wait_indirect_dma semaphore(%run_scoped3A : memref<!tpu.dma_semaphore, #tpu.memory_space<semaphore_mem>>) src(%arg10 : memref<80x80xf32, #tpu.memory_space<vmem>>) dst(%dma_wait3A_122 : memref<10000x80xf32, #tpu.memory_space<vmem_shared>>)
        tpu.yield
      }) : () -> ()
    }
    %scan3A_23 = arith.constant 62 : i32
    %dma_wait3A = arith.constant 0 : i32
    %dma_wait3A_24 = tpu.memref_slice %arg2[%dma_wait3A] : memref<320000xi32, #tpu.memory_space<hbm>> -> memref<80xi32, #tpu.memory_space<hbm>>
    %dma_wait3A_25 = arith.constant 0 : i32
    %dma_wait3A_26 = tpu.memref_slice %arg2[%dma_wait3A_25] : memref<320000xi32, #tpu.memory_space<hbm>> -> memref<80xi32, #tpu.memory_space<hbm>>
    tpu.wait_dma2 semaphore(%arg13 : memref<!tpu.dma_semaphore, #tpu.memory_space<semaphore_mem>>) src(%dma_wait3A_26 : memref<80xi32, #tpu.memory_space<hbm>>) dst(%arg7 : memref<80xi32, #tpu.memory_space<vmem>>)
    %dma_wait3A_27 = arith.constant 0 : i32
    %dma_wait3A_28 = arith.constant 0 : i32
    %dma_wait3A_29 = tpu.memref_slice %arg3[%dma_wait3A_27, %dma_wait3A_28] : memref<320000x80xf32, #tpu.memory_space<hbm>> -> memref<80x80xf32, #tpu.memory_space<hbm>>
    %dma_wait3A_30 = arith.constant 0 : i32
    %dma_wait3A_31 = arith.constant 0 : i32
    %dma_wait3A_32 = tpu.memref_slice %arg3[%dma_wait3A_30, %dma_wait3A_31] : memref<320000x80xf32, #tpu.memory_space<hbm>> -> memref<80x80xf32, #tpu.memory_space<hbm>>
    tpu.wait_dma2 semaphore(%arg15 : memref<!tpu.dma_semaphore, #tpu.memory_space<semaphore_mem>>) src(%dma_wait3A_32 : memref<80x80xf32, #tpu.memory_space<hbm>>) dst(%arg9 : memref<80x80xf32, #tpu.memory_space<vmem>>)
    "tpu.region"() ({
      %run_scoped3A = tpu.sem_alloc : memref<!tpu.dma_semaphore, #tpu.memory_space<semaphore_mem>>
      %dma_start3A_76 = arith.constant 0 : i32
      %dma_start3A_77 = arith.constant 0 : i32
      %dma_start3A_78 = tpu.memref_slice %arg12[%dma_start3A_76, %dma_start3A_77] : memref<10000x80xf32, #tpu.memory_space<vmem_shared>> -> memref<10000x80xf32, #tpu.memory_space<vmem_shared>>
      tpu.enqueue_indirect_dma source(%arg9 : memref<80x80xf32, #tpu.memory_space<vmem>>) target(%dma_start3A_78 : memref<10000x80xf32, #tpu.memory_space<vmem_shared>>) offsets(%arg7 : memref<80xi32, #tpu.memory_space<vmem>>) semaphore(%run_scoped3A : memref<!tpu.dma_semaphore, #tpu.memory_space<semaphore_mem>>) {add = true}
      %dma_wait3A_79 = arith.constant 0 : i32
      %dma_wait3A_80 = arith.constant 0 : i32
      %dma_wait3A_81 = tpu.memref_slice %arg12[%dma_wait3A_79, %dma_wait3A_80] : memref<10000x80xf32, #tpu.memory_space<vmem_shared>> -> memref<10000x80xf32, #tpu.memory_space<vmem_shared>>
      tpu.wait_indirect_dma semaphore(%run_scoped3A : memref<!tpu.dma_semaphore, #tpu.memory_space<semaphore_mem>>) src(%arg9 : memref<80x80xf32, #tpu.memory_space<vmem>>) dst(%dma_wait3A_81 : memref<10000x80xf32, #tpu.memory_space<vmem_shared>>)
      tpu.yield
    }) : () -> ()
    %barrier3A_33 = arith.constant 0 : index
    tpu.barrier barrier_id(%barrier3A_33)
    %eq3A = arith.constant 0 : i32
    %eq3A_34 = arith.cmpi eq, %arg1, %eq3A : i32
    %convert_element_type3A_35 = arith.extui %eq3A_34 : i1 to i32
    %cond3A_36 = arith.constant 0 : i32
    %cond3A_37 = arith.cmpi ne, %convert_element_type3A_35, %cond3A_36 : i32
    scf.if %cond3A_37 {
      "tpu.region"() ({
        %run_scoped3A = tpu.sem_alloc : memref<!tpu.dma_semaphore, #tpu.memory_space<semaphore_mem>>
        %dma_start3A_76 = arith.constant 0 : i32
        %dma_start3A_77 = arith.constant 0 : i32
        %dma_start3A_78 = tpu.memref_slice %arg5[%arg0, %dma_start3A_76, %dma_start3A_77] : memref<2x10000x80xf32, #tpu.memory_space<hbm>> -> memref<1x10000x80xf32, #tpu.memory_space<hbm>>
        %dma_start3A_79 = tpu.memref_squeeze %dma_start3A_78 : memref<1x10000x80xf32, #tpu.memory_space<hbm>> -> memref<10000x80xf32, #tpu.memory_space<hbm>>
        tpu.enqueue_dma source(%arg12 : memref<10000x80xf32, #tpu.memory_space<vmem_shared>>) target(%dma_start3A_79 : memref<10000x80xf32, #tpu.memory_space<hbm>>) target_semaphore(%run_scoped3A : memref<!tpu.dma_semaphore, #tpu.memory_space<semaphore_mem>>)
        %dma_wait3A_80 = arith.constant 0 : i32
        %dma_wait3A_81 = arith.constant 0 : i32
        %dma_wait3A_82 = tpu.memref_slice %arg5[%arg0, %dma_wait3A_80, %dma_wait3A_81] : memref<2x10000x80xf32, #tpu.memory_space<hbm>> -> memref<1x10000x80xf32, #tpu.memory_space<hbm>>
        %dma_wait3A_83 = tpu.memref_squeeze %dma_wait3A_82 : memref<1x10000x80xf32, #tpu.memory_space<hbm>> -> memref<10000x80xf32, #tpu.memory_space<hbm>>
        tpu.wait_dma2 semaphore(%run_scoped3A : memref<!tpu.dma_semaphore, #tpu.memory_space<semaphore_mem>>) src(%arg12 : memref<10000x80xf32, #tpu.memory_space<vmem_shared>>) dst(%dma_wait3A_83 : memref<10000x80xf32, #tpu.memory_space<hbm>>)
        tpu.yield
      }) : () -> ()
    } else {
    }
    %barrier3A_38 = arith.constant 0 : index
    tpu.barrier barrier_id(%barrier3A_38)
    %lt3A_39 = arith.constant 10 : i32
    %lt3A_40 = arith.cmpi slt, %arg1, %lt3A_39 : i32
    %convert_element_type3A_41 = arith.extui %lt3A_40 : i1 to i32
    %cond3A_42 = arith.constant 0 : i32
    %cond3A_43 = arith.cmpi ne, %convert_element_type3A_41, %cond3A_42 : i32
    scf.if %cond3A_43 {
      %scan3A_76 = arith.constant 0 : i32
      %scan3A_77 = arith.constant 0 : i32
      %scan3A_78 = arith.constant 5 : i32
      %scan3A_79 = arith.addi %scan3A_77, %scan3A_78 : i32
      %scan3A_80 = arith.constant 1 : i32
      scf.for %scan3A_82 = %scan3A_77 to %scan3A_79 step %scan3A_80  : i32 {
        %mul3A_83 = arith.constant 1000 : i32
        %mul3A_84 = arith.muli %arg1, %mul3A_83 : i32
        %mul3A_85 = arith.constant 200 : i32
        %mul3A_86 = arith.muli %scan3A_82, %mul3A_85 : i32
        %add3A_87 = arith.addi %mul3A_84, %mul3A_86 : i32
        "tpu.region"() ({
          %run_scoped3A = tpu.sem_alloc : memref<!tpu.dma_semaphore, #tpu.memory_space<semaphore_mem>>
          %dma_start3A_88 = arith.constant 0 : i32
          %dma_start3A_89 = tpu.memref_slice %arg12[%add3A_87, %dma_start3A_88] : memref<10000x80xf32, #tpu.memory_space<vmem_shared>> -> memref<200x80xf32, #tpu.memory_space<vmem_shared>>
          %dma_start3A_90 = arith.constant 0 : i32
          %dma_start3A_91 = tpu.memref_slice %arg12[%add3A_87, %dma_start3A_90] : memref<10000x80xf32, #tpu.memory_space<vmem_shared>> -> memref<200x80xf32, #tpu.memory_space<vmem_shared>>
          tpu.enqueue_dma source(%arg11 : memref<200x80xf32, #tpu.memory_space<vmem>>) target(%dma_start3A_91 : memref<200x80xf32, #tpu.memory_space<vmem_shared>>) target_semaphore(%run_scoped3A : memref<!tpu.dma_semaphore, #tpu.memory_space<semaphore_mem>>)
          %dma_wait3A_92 = arith.constant 0 : i32
          %dma_wait3A_93 = tpu.memref_slice %arg12[%add3A_87, %dma_wait3A_92] : memref<10000x80xf32, #tpu.memory_space<vmem_shared>> -> memref<200x80xf32, #tpu.memory_space<vmem_shared>>
          %dma_wait3A_94 = arith.constant 0 : i32
          %dma_wait3A_95 = tpu.memref_slice %arg12[%add3A_87, %dma_wait3A_94] : memref<10000x80xf32, #tpu.memory_space<vmem_shared>> -> memref<200x80xf32, #tpu.memory_space<vmem_shared>>
          tpu.wait_dma2 semaphore(%run_scoped3A : memref<!tpu.dma_semaphore, #tpu.memory_space<semaphore_mem>>) src(%arg11 : memref<200x80xf32, #tpu.memory_space<vmem>>) dst(%dma_wait3A_95 : memref<200x80xf32, #tpu.memory_space<vmem_shared>>)
          tpu.yield
        }) : () -> ()
      }
      %scan3A_81 = arith.constant 5 : i32
    } else {
    }
    %barrier3A_44 = arith.constant 0 : index
    tpu.barrier barrier_id(%barrier3A_44)
    %add3A_45 = arith.constant 0 : i32
    %add3A_46 = arith.addi %mul3A_2, %add3A_45 : i32
    %dma_start3A_47 = tpu.memref_slice %arg2[%add3A_46] : memref<320000xi32, #tpu.memory_space<hbm>> -> memref<80xi32, #tpu.memory_space<hbm>>
    %dma_start3A_48 = tpu.memref_slice %arg2[%add3A_46] : memref<320000xi32, #tpu.memory_space<hbm>> -> memref<80xi32, #tpu.memory_space<hbm>>
    tpu.enqueue_dma source(%dma_start3A_48 : memref<80xi32, #tpu.memory_space<hbm>>) target(%arg7 : memref<80xi32, #tpu.memory_space<vmem>>) target_semaphore(%arg13 : memref<!tpu.dma_semaphore, #tpu.memory_space<semaphore_mem>>)
    %dma_start3A_49 = arith.constant 0 : i32
    %dma_start3A_50 = tpu.memref_slice %arg4[%add3A_46, %dma_start3A_49] : memref<320000x80xf32, #tpu.memory_space<hbm>> -> memref<80x80xf32, #tpu.memory_space<hbm>>
    %dma_start3A_51 = arith.constant 0 : i32
    %dma_start3A_52 = tpu.memref_slice %arg4[%add3A_46, %dma_start3A_51] : memref<320000x80xf32, #tpu.memory_space<hbm>> -> memref<80x80xf32, #tpu.memory_space<hbm>>
    tpu.enqueue_dma source(%dma_start3A_52 : memref<80x80xf32, #tpu.memory_space<hbm>>) target(%arg9 : memref<80x80xf32, #tpu.memory_space<vmem>>) target_semaphore(%arg15 : memref<!tpu.dma_semaphore, #tpu.memory_space<semaphore_mem>>)
    %scan3A_53 = arith.constant 0 : i32
    %scan3A_54 = arith.constant 0 : i32
    %scan3A_55 = arith.constant 62 : i32
    %scan3A_56 = arith.addi %scan3A_54, %scan3A_55 : i32
    %scan3A_57 = arith.constant 1 : i32
    scf.for %scan3A_76 = %scan3A_54 to %scan3A_56 step %scan3A_57  : i32 {
      %mul3A_77 = arith.constant 2 : i32
      %mul3A_78 = arith.muli %mul3A_77, %scan3A_76 : i32
      %add3A_79 = arith.constant 1 : i32
      %add3A_80 = arith.addi %mul3A_78, %add3A_79 : i32
      %mul3A_81 = arith.constant 80 : i32
      %mul3A_82 = arith.muli %add3A_80, %mul3A_81 : i32
      %add3A_83 = arith.addi %mul3A_2, %mul3A_82 : i32
      %dma_start3A_84 = tpu.memref_slice %arg2[%add3A_83] : memref<320000xi32, #tpu.memory_space<hbm>> -> memref<80xi32, #tpu.memory_space<hbm>>
      %dma_start3A_85 = tpu.memref_slice %arg2[%add3A_83] : memref<320000xi32, #tpu.memory_space<hbm>> -> memref<80xi32, #tpu.memory_space<hbm>>
      tpu.enqueue_dma source(%dma_start3A_85 : memref<80xi32, #tpu.memory_space<hbm>>) target(%arg8 : memref<80xi32, #tpu.memory_space<vmem>>) target_semaphore(%arg14 : memref<!tpu.dma_semaphore, #tpu.memory_space<semaphore_mem>>)
      %dma_start3A_86 = arith.constant 0 : i32
      %dma_start3A_87 = tpu.memref_slice %arg4[%add3A_83, %dma_start3A_86] : memref<320000x80xf32, #tpu.memory_space<hbm>> -> memref<80x80xf32, #tpu.memory_space<hbm>>
      %dma_start3A_88 = arith.constant 0 : i32
      %dma_start3A_89 = tpu.memref_slice %arg4[%add3A_83, %dma_start3A_88] : memref<320000x80xf32, #tpu.memory_space<hbm>> -> memref<80x80xf32, #tpu.memory_space<hbm>>
      tpu.enqueue_dma source(%dma_start3A_89 : memref<80x80xf32, #tpu.memory_space<hbm>>) target(%arg10 : memref<80x80xf32, #tpu.memory_space<vmem>>) target_semaphore(%arg16 : memref<!tpu.dma_semaphore, #tpu.memory_space<semaphore_mem>>)
      %dma_wait3A_90 = arith.constant 0 : i32
      %dma_wait3A_91 = tpu.memref_slice %arg2[%dma_wait3A_90] : memref<320000xi32, #tpu.memory_space<hbm>> -> memref<80xi32, #tpu.memory_space<hbm>>
      %dma_wait3A_92 = arith.constant 0 : i32
      %dma_wait3A_93 = tpu.memref_slice %arg2[%dma_wait3A_92] : memref<320000xi32, #tpu.memory_space<hbm>> -> memref<80xi32, #tpu.memory_space<hbm>>
      tpu.wait_dma2 semaphore(%arg13 : memref<!tpu.dma_semaphore, #tpu.memory_space<semaphore_mem>>) src(%dma_wait3A_93 : memref<80xi32, #tpu.memory_space<hbm>>) dst(%arg7 : memref<80xi32, #tpu.memory_space<vmem>>)
      %dma_wait3A_94 = arith.constant 0 : i32
      %dma_wait3A_95 = arith.constant 0 : i32
      %dma_wait3A_96 = tpu.memref_slice %arg4[%dma_wait3A_94, %dma_wait3A_95] : memref<320000x80xf32, #tpu.memory_space<hbm>> -> memref<80x80xf32, #tpu.memory_space<hbm>>
      %dma_wait3A_97 = arith.constant 0 : i32
      %dma_wait3A_98 = arith.constant 0 : i32
      %dma_wait3A_99 = tpu.memref_slice %arg4[%dma_wait3A_97, %dma_wait3A_98] : memref<320000x80xf32, #tpu.memory_space<hbm>> -> memref<80x80xf32, #tpu.memory_space<hbm>>
      tpu.wait_dma2 semaphore(%arg15 : memref<!tpu.dma_semaphore, #tpu.memory_space<semaphore_mem>>) src(%dma_wait3A_99 : memref<80x80xf32, #tpu.memory_space<hbm>>) dst(%arg9 : memref<80x80xf32, #tpu.memory_space<vmem>>)
      "tpu.region"() ({
        %run_scoped3A = tpu.sem_alloc : memref<!tpu.dma_semaphore, #tpu.memory_space<semaphore_mem>>
        %dma_start3A_117 = arith.constant 0 : i32
        %dma_start3A_118 = arith.constant 0 : i32
        %dma_start3A_119 = tpu.memref_slice %arg12[%dma_start3A_117, %dma_start3A_118] : memref<10000x80xf32, #tpu.memory_space<vmem_shared>> -> memref<10000x80xf32, #tpu.memory_space<vmem_shared>>
        tpu.enqueue_indirect_dma source(%arg9 : memref<80x80xf32, #tpu.memory_space<vmem>>) target(%dma_start3A_119 : memref<10000x80xf32, #tpu.memory_space<vmem_shared>>) offsets(%arg7 : memref<80xi32, #tpu.memory_space<vmem>>) semaphore(%run_scoped3A : memref<!tpu.dma_semaphore, #tpu.memory_space<semaphore_mem>>) {add = true}
        %dma_wait3A_120 = arith.constant 0 : i32
        %dma_wait3A_121 = arith.constant 0 : i32
        %dma_wait3A_122 = tpu.memref_slice %arg12[%dma_wait3A_120, %dma_wait3A_121] : memref<10000x80xf32, #tpu.memory_space<vmem_shared>> -> memref<10000x80xf32, #tpu.memory_space<vmem_shared>>
        tpu.wait_indirect_dma semaphore(%run_scoped3A : memref<!tpu.dma_semaphore, #tpu.memory_space<semaphore_mem>>) src(%arg9 : memref<80x80xf32, #tpu.memory_space<vmem>>) dst(%dma_wait3A_122 : memref<10000x80xf32, #tpu.memory_space<vmem_shared>>)
        tpu.yield
      }) : () -> ()
      %add3A_100 = arith.constant 2 : i32
      %add3A_101 = arith.addi %mul3A_78, %add3A_100 : i32
      %lt3A_102 = arith.constant 125 : i32
      %lt3A_103 = arith.cmpi slt, %add3A_101, %lt3A_102 : i32
      %convert_element_type3A_104 = arith.extui %lt3A_103 : i1 to i32
      %cond3A_105 = arith.constant 0 : i32
      %cond3A_106 = arith.cmpi ne, %convert_element_type3A_104, %cond3A_105 : i32
      scf.if %cond3A_106 {
        %add3A_117 = arith.constant 2 : i32
        %add3A_118 = arith.addi %mul3A_78, %add3A_117 : i32
        %mul3A_119 = arith.constant 80 : i32
        %mul3A_120 = arith.muli %add3A_118, %mul3A_119 : i32
        %add3A_121 = arith.addi %mul3A_2, %mul3A_120 : i32
        %dma_start3A_122 = tpu.memref_slice %arg2[%add3A_121] : memref<320000xi32, #tpu.memory_space<hbm>> -> memref<80xi32, #tpu.memory_space<hbm>>
        %dma_start3A_123 = tpu.memref_slice %arg2[%add3A_121] : memref<320000xi32, #tpu.memory_space<hbm>> -> memref<80xi32, #tpu.memory_space<hbm>>
        tpu.enqueue_dma source(%dma_start3A_123 : memref<80xi32, #tpu.memory_space<hbm>>) target(%arg7 : memref<80xi32, #tpu.memory_space<vmem>>) target_semaphore(%arg13 : memref<!tpu.dma_semaphore, #tpu.memory_space<semaphore_mem>>)
        %dma_start3A_124 = arith.constant 0 : i32
        %dma_start3A_125 = tpu.memref_slice %arg4[%add3A_121, %dma_start3A_124] : memref<320000x80xf32, #tpu.memory_space<hbm>> -> memref<80x80xf32, #tpu.memory_space<hbm>>
        %dma_start3A_126 = arith.constant 0 : i32
        %dma_start3A_127 = tpu.memref_slice %arg4[%add3A_121, %dma_start3A_126] : memref<320000x80xf32, #tpu.memory_space<hbm>> -> memref<80x80xf32, #tpu.memory_space<hbm>>
        tpu.enqueue_dma source(%dma_start3A_127 : memref<80x80xf32, #tpu.memory_space<hbm>>) target(%arg9 : memref<80x80xf32, #tpu.memory_space<vmem>>) target_semaphore(%arg15 : memref<!tpu.dma_semaphore, #tpu.memory_space<semaphore_mem>>)
      } else {
      }
      %dma_wait3A_107 = arith.constant 0 : i32
      %dma_wait3A_108 = tpu.memref_slice %arg2[%dma_wait3A_107] : memref<320000xi32, #tpu.memory_space<hbm>> -> memref<80xi32, #tpu.memory_space<hbm>>
      %dma_wait3A_109 = arith.constant 0 : i32
      %dma_wait3A_110 = tpu.memref_slice %arg2[%dma_wait3A_109] : memref<320000xi32, #tpu.memory_space<hbm>> -> memref<80xi32, #tpu.memory_space<hbm>>
      tpu.wait_dma2 semaphore(%arg14 : memref<!tpu.dma_semaphore, #tpu.memory_space<semaphore_mem>>) src(%dma_wait3A_110 : memref<80xi32, #tpu.memory_space<hbm>>) dst(%arg8 : memref<80xi32, #tpu.memory_space<vmem>>)
      %dma_wait3A_111 = arith.constant 0 : i32
      %dma_wait3A_112 = arith.constant 0 : i32
      %dma_wait3A_113 = tpu.memref_slice %arg4[%dma_wait3A_111, %dma_wait3A_112] : memref<320000x80xf32, #tpu.memory_space<hbm>> -> memref<80x80xf32, #tpu.memory_space<hbm>>
      %dma_wait3A_114 = arith.constant 0 : i32
      %dma_wait3A_115 = arith.constant 0 : i32
      %dma_wait3A_116 = tpu.memref_slice %arg4[%dma_wait3A_114, %dma_wait3A_115] : memref<320000x80xf32, #tpu.memory_space<hbm>> -> memref<80x80xf32, #tpu.memory_space<hbm>>
      tpu.wait_dma2 semaphore(%arg16 : memref<!tpu.dma_semaphore, #tpu.memory_space<semaphore_mem>>) src(%dma_wait3A_116 : memref<80x80xf32, #tpu.memory_space<hbm>>) dst(%arg10 : memref<80x80xf32, #tpu.memory_space<vmem>>)
      "tpu.region"() ({
        %run_scoped3A = tpu.sem_alloc : memref<!tpu.dma_semaphore, #tpu.memory_space<semaphore_mem>>
        %dma_start3A_117 = arith.constant 0 : i32
        %dma_start3A_118 = arith.constant 0 : i32
        %dma_start3A_119 = tpu.memref_slice %arg12[%dma_start3A_117, %dma_start3A_118] : memref<10000x80xf32, #tpu.memory_space<vmem_shared>> -> memref<10000x80xf32, #tpu.memory_space<vmem_shared>>
        tpu.enqueue_indirect_dma source(%arg10 : memref<80x80xf32, #tpu.memory_space<vmem>>) target(%dma_start3A_119 : memref<10000x80xf32, #tpu.memory_space<vmem_shared>>) offsets(%arg8 : memref<80xi32, #tpu.memory_space<vmem>>) semaphore(%run_scoped3A : memref<!tpu.dma_semaphore, #tpu.memory_space<semaphore_mem>>) {add = true}
        %dma_wait3A_120 = arith.constant 0 : i32
        %dma_wait3A_121 = arith.constant 0 : i32
        %dma_wait3A_122 = tpu.memref_slice %arg12[%dma_wait3A_120, %dma_wait3A_121] : memref<10000x80xf32, #tpu.memory_space<vmem_shared>> -> memref<10000x80xf32, #tpu.memory_space<vmem_shared>>
        tpu.wait_indirect_dma semaphore(%run_scoped3A : memref<!tpu.dma_semaphore, #tpu.memory_space<semaphore_mem>>) src(%arg10 : memref<80x80xf32, #tpu.memory_space<vmem>>) dst(%dma_wait3A_122 : memref<10000x80xf32, #tpu.memory_space<vmem_shared>>)
        tpu.yield
      }) : () -> ()
    }
    %scan3A_58 = arith.constant 62 : i32
    %dma_wait3A_59 = arith.constant 0 : i32
    %dma_wait3A_60 = tpu.memref_slice %arg2[%dma_wait3A_59] : memref<320000xi32, #tpu.memory_space<hbm>> -> memref<80xi32, #tpu.memory_space<hbm>>
    %dma_wait3A_61 = arith.constant 0 : i32
    %dma_wait3A_62 = tpu.memref_slice %arg2[%dma_wait3A_61] : memref<320000xi32, #tpu.memory_space<hbm>> -> memref<80xi32, #tpu.memory_space<hbm>>
    tpu.wait_dma2 semaphore(%arg13 : memref<!tpu.dma_semaphore, #tpu.memory_space<semaphore_mem>>) src(%dma_wait3A_62 : memref<80xi32, #tpu.memory_space<hbm>>) dst(%arg7 : memref<80xi32, #tpu.memory_space<vmem>>)
    %dma_wait3A_63 = arith.constant 0 : i32
    %dma_wait3A_64 = arith.constant 0 : i32
    %dma_wait3A_65 = tpu.memref_slice %arg4[%dma_wait3A_63, %dma_wait3A_64] : memref<320000x80xf32, #tpu.memory_space<hbm>> -> memref<80x80xf32, #tpu.memory_space<hbm>>
    %dma_wait3A_66 = arith.constant 0 : i32
    %dma_wait3A_67 = arith.constant 0 : i32
    %dma_wait3A_68 = tpu.memref_slice %arg4[%dma_wait3A_66, %dma_wait3A_67] : memref<320000x80xf32, #tpu.memory_space<hbm>> -> memref<80x80xf32, #tpu.memory_space<hbm>>
    tpu.wait_dma2 semaphore(%arg15 : memref<!tpu.dma_semaphore, #tpu.memory_space<semaphore_mem>>) src(%dma_wait3A_68 : memref<80x80xf32, #tpu.memory_space<hbm>>) dst(%arg9 : memref<80x80xf32, #tpu.memory_space<vmem>>)
    "tpu.region"() ({
      %run_scoped3A = tpu.sem_alloc : memref<!tpu.dma_semaphore, #tpu.memory_space<semaphore_mem>>
      %dma_start3A_76 = arith.constant 0 : i32
      %dma_start3A_77 = arith.constant 0 : i32
      %dma_start3A_78 = tpu.memref_slice %arg12[%dma_start3A_76, %dma_start3A_77] : memref<10000x80xf32, #tpu.memory_space<vmem_shared>> -> memref<10000x80xf32, #tpu.memory_space<vmem_shared>>
      tpu.enqueue_indirect_dma source(%arg9 : memref<80x80xf32, #tpu.memory_space<vmem>>) target(%dma_start3A_78 : memref<10000x80xf32, #tpu.memory_space<vmem_shared>>) offsets(%arg7 : memref<80xi32, #tpu.memory_space<vmem>>) semaphore(%run_scoped3A : memref<!tpu.dma_semaphore, #tpu.memory_space<semaphore_mem>>) {add = true}
      %dma_wait3A_79 = arith.constant 0 : i32
      %dma_wait3A_80 = arith.constant 0 : i32
      %dma_wait3A_81 = tpu.memref_slice %arg12[%dma_wait3A_79, %dma_wait3A_80] : memref<10000x80xf32, #tpu.memory_space<vmem_shared>> -> memref<10000x80xf32, #tpu.memory_space<vmem_shared>>
      tpu.wait_indirect_dma semaphore(%run_scoped3A : memref<!tpu.dma_semaphore, #tpu.memory_space<semaphore_mem>>) src(%arg9 : memref<80x80xf32, #tpu.memory_space<vmem>>) dst(%dma_wait3A_81 : memref<10000x80xf32, #tpu.memory_space<vmem_shared>>)
      tpu.yield
    }) : () -> ()
    %barrier3A_69 = arith.constant 0 : index
    tpu.barrier barrier_id(%barrier3A_69)
    %eq3A_70 = arith.constant 0 : i32
    %eq3A_71 = arith.cmpi eq, %arg1, %eq3A_70 : i32
    %convert_element_type3A_72 = arith.extui %eq3A_71 : i1 to i32
    %cond3A_73 = arith.constant 0 : i32
    %cond3A_74 = arith.cmpi ne, %convert_element_type3A_72, %cond3A_73 : i32
    scf.if %cond3A_74 {
      "tpu.region"() ({
        %run_scoped3A = tpu.sem_alloc : memref<!tpu.dma_semaphore, #tpu.memory_space<semaphore_mem>>
        %dma_start3A_76 = arith.constant 0 : i32
        %dma_start3A_77 = arith.constant 0 : i32
        %dma_start3A_78 = tpu.memref_slice %arg6[%arg0, %dma_start3A_76, %dma_start3A_77] : memref<2x10000x80xf32, #tpu.memory_space<hbm>> -> memref<1x10000x80xf32, #tpu.memory_space<hbm>>
        %dma_start3A_79 = tpu.memref_squeeze %dma_start3A_78 : memref<1x10000x80xf32, #tpu.memory_space<hbm>> -> memref<10000x80xf32, #tpu.memory_space<hbm>>
        tpu.enqueue_dma source(%arg12 : memref<10000x80xf32, #tpu.memory_space<vmem_shared>>) target(%dma_start3A_79 : memref<10000x80xf32, #tpu.memory_space<hbm>>) target_semaphore(%run_scoped3A : memref<!tpu.dma_semaphore, #tpu.memory_space<semaphore_mem>>)
        %dma_wait3A_80 = arith.constant 0 : i32
        %dma_wait3A_81 = arith.constant 0 : i32
        %dma_wait3A_82 = tpu.memref_slice %arg6[%arg0, %dma_wait3A_80, %dma_wait3A_81] : memref<2x10000x80xf32, #tpu.memory_space<hbm>> -> memref<1x10000x80xf32, #tpu.memory_space<hbm>>
        %dma_wait3A_83 = tpu.memref_squeeze %dma_wait3A_82 : memref<1x10000x80xf32, #tpu.memory_space<hbm>> -> memref<10000x80xf32, #tpu.memory_space<hbm>>
        tpu.wait_dma2 semaphore(%run_scoped3A : memref<!tpu.dma_semaphore, #tpu.memory_space<semaphore_mem>>) src(%arg12 : memref<10000x80xf32, #tpu.memory_space<vmem_shared>>) dst(%dma_wait3A_83 : memref<10000x80xf32, #tpu.memory_space<hbm>>)
        tpu.yield
      }) : () -> ()
    } else {
    }
    %barrier3A_75 = arith.constant 0 : index
    tpu.barrier barrier_id(%barrier3A_75)
    return
  }
}

module attributes {stable_mosaic.version = 14 : i64} {
  func.func @_proj_body(%arg0: i32, %arg1: memref<1000x128xf32, #tpu.memory_space<vmem>>, %arg2: memref<1000x1xi32, #tpu.memory_space<vmem>>, %arg3: memref<3x128x128xf32, #tpu.memory_space<vmem>>, %arg4: memref<3x128xf32, #tpu.memory_space<vmem>>, %arg5: memref<3x128x128xf32, #tpu.memory_space<vmem>>, %arg6: memref<3x128xf32, #tpu.memory_space<vmem>>, %arg7: memref<3x128x128xf32, #tpu.memory_space<vmem>>, %arg8: memref<3x128xf32, #tpu.memory_space<vmem>>, %arg9: memref<5x128x128xf32, #tpu.memory_space<vmem>>, %arg10: memref<5x128x128xf32, #tpu.memory_space<vmem>>, %arg11: memref<1000x128xf32, #tpu.memory_space<vmem>>, %arg12: memref<5x1000x128xf32, #tpu.memory_space<vmem>>, %arg13: memref<5x1000x128xf32, #tpu.memory_space<vmem>>) attributes {dimension_semantics = [#tpu.dimension_semantics<arbitrary>], iteration_bounds = array<i64: 10>, scalar_prefetch = 0 : i64, scratch_operands = 0 : i64, tpu.core_type = #tpu.core_type<tc>, window_params = [{transform_indices = @transform_0, window_bounds = array<i64: 1000, 128>}, {transform_indices = @transform_1, window_bounds = array<i64: 1000, 1>}, {pipeline_mode = #tpu.pipeline_mode<synchronous>, transform_indices = @transform_2, window_bounds = array<i64: 3, 128, 128>}, {pipeline_mode = #tpu.pipeline_mode<synchronous>, transform_indices = @transform_3, window_bounds = array<i64: 3, 128>}, {pipeline_mode = #tpu.pipeline_mode<synchronous>, transform_indices = @transform_4, window_bounds = array<i64: 3, 128, 128>}, {pipeline_mode = #tpu.pipeline_mode<synchronous>, transform_indices = @transform_5, window_bounds = array<i64: 3, 128>}, {pipeline_mode = #tpu.pipeline_mode<synchronous>, transform_indices = @transform_6, window_bounds = array<i64: 3, 128, 128>}, {pipeline_mode = #tpu.pipeline_mode<synchronous>, transform_indices = @transform_7, window_bounds = array<i64: 3, 128>}, {pipeline_mode = #tpu.pipeline_mode<synchronous>, transform_indices = @transform_8, window_bounds = array<i64: 5, 128, 128>}, {pipeline_mode = #tpu.pipeline_mode<synchronous>, transform_indices = @transform_9, window_bounds = array<i64: 5, 128, 128>}, {transform_indices = @transform_10, window_bounds = array<i64: 1000, 128>}, {transform_indices = @transform_11, window_bounds = array<i64: 5, 1000, 128>}, {transform_indices = @transform_12, window_bounds = array<i64: 5, 1000, 128>}]} {
    %get3A = arith.constant 0 : index
    %get3A_0 = arith.constant 0 : index
    %get3A_1 = vector.load %arg1[%get3A, %get3A_0] : memref<1000x128xf32, #tpu.memory_space<vmem>>, vector<1000x128xf32>
    %get3A_2 = arith.constant 0 : index
    %get3A_3 = arith.constant 0 : index
    %get3A_4 = vector.load %arg2[%get3A_2, %get3A_3] : memref<1000x1xi32, #tpu.memory_space<vmem>>, vector<1000x1xi32>
    %broadcast_in_dim3A = arith.constant 0.000000e+00 : f32
    %broadcast_in_dim3A_5 = vector.broadcast %broadcast_in_dim3A : f32 to vector<1000x128xf32>
    %broadcast_in_dim3A_6 = arith.constant 0.000000e+00 : f32
    %broadcast_in_dim3A_7 = vector.broadcast %broadcast_in_dim3A_6 : f32 to vector<1000x128xf32>
    %broadcast_in_dim3A_8 = arith.constant 0.000000e+00 : f32
    %broadcast_in_dim3A_9 = vector.broadcast %broadcast_in_dim3A_8 : f32 to vector<1000x128xf32>
    %eq3A = arith.constant 0 : i32
    %eq3A_10 = vector.broadcast %eq3A : i32 to vector<1000x1xi32>
    %eq3A_11 = arith.cmpi eq, %get3A_4, %eq3A_10 : vector<1000x1xi32>
    %convert_element_type3A = arith.extui %eq3A_11 : vector<1000x1xi1> to vector<1000x1xi32>
    %convert_element_type3A_12 = arith.sitofp %convert_element_type3A : vector<1000x1xi32> to vector<1000x1xf32>
    %get3A_13 = arith.constant 0 : index
    %get3A_14 = arith.constant 0 : index
    %get3A_15 = arith.constant 0 : index
    %get3A_16 = vector.load %arg3[%get3A_13, %get3A_14, %get3A_15] : memref<3x128x128xf32, #tpu.memory_space<vmem>>, vector<1x128x128xf32>
    %get3A_17 = vector.shape_cast %get3A_16 : vector<1x128x128xf32> to vector<128x128xf32>
    %dot_general3A = arith.constant dense<0.000000e+00> : vector<1000x128xf32>
    %dot_general3A_18 = tpu.matmul %get3A_1, %get3A_17, %dot_general3A {dimension_numbers = #tpu.dot_dimension_numbers<[1], [0], [0], [1], [0, 0, 1, 1], [], []>, transpose_lhs_hint = false} : vector<1000x128xf32>, vector<128x128xf32>, vector<1000x128xf32> -> vector<1000x128xf32>
    %get3A_19 = arith.constant 0 : index
    %get3A_20 = arith.constant 0 : index
    %get3A_21 = vector.load %arg4[%get3A_19, %get3A_20] : memref<3x128xf32, #tpu.memory_space<vmem>>, vector<1x128xf32>
    %add3A = vector.broadcast %get3A_21 : vector<1x128xf32> to vector<1000x128xf32>
    %add3A_22 = arith.addf %dot_general3A_18, %add3A : vector<1000x128xf32>
    %mul3A = vector.broadcast %convert_element_type3A_12 : vector<1000x1xf32> to vector<1000x128xf32>
    %mul3A_23 = arith.mulf %mul3A, %add3A_22 : vector<1000x128xf32>
    %add3A_24 = arith.addf %broadcast_in_dim3A_5, %mul3A_23 : vector<1000x128xf32>
    %get3A_25 = arith.constant 0 : index
    %get3A_26 = arith.constant 0 : index
    %get3A_27 = arith.constant 0 : index
    %get3A_28 = vector.load %arg5[%get3A_25, %get3A_26, %get3A_27] : memref<3x128x128xf32, #tpu.memory_space<vmem>>, vector<1x128x128xf32>
    %get3A_29 = vector.shape_cast %get3A_28 : vector<1x128x128xf32> to vector<128x128xf32>
    %dot_general3A_30 = arith.constant dense<0.000000e+00> : vector<1000x128xf32>
    %dot_general3A_31 = tpu.matmul %get3A_1, %get3A_29, %dot_general3A_30 {dimension_numbers = #tpu.dot_dimension_numbers<[1], [0], [0], [1], [0, 0, 1, 1], [], []>, transpose_lhs_hint = false} : vector<1000x128xf32>, vector<128x128xf32>, vector<1000x128xf32> -> vector<1000x128xf32>
    %get3A_32 = arith.constant 0 : index
    %get3A_33 = arith.constant 0 : index
    %get3A_34 = vector.load %arg6[%get3A_32, %get3A_33] : memref<3x128xf32, #tpu.memory_space<vmem>>, vector<1x128xf32>
    %add3A_35 = vector.broadcast %get3A_34 : vector<1x128xf32> to vector<1000x128xf32>
    %add3A_36 = arith.addf %dot_general3A_31, %add3A_35 : vector<1000x128xf32>
    %mul3A_37 = vector.broadcast %convert_element_type3A_12 : vector<1000x1xf32> to vector<1000x128xf32>
    %mul3A_38 = arith.mulf %mul3A_37, %add3A_36 : vector<1000x128xf32>
    %add3A_39 = arith.addf %broadcast_in_dim3A_7, %mul3A_38 : vector<1000x128xf32>
    %get3A_40 = arith.constant 0 : index
    %get3A_41 = arith.constant 0 : index
    %get3A_42 = arith.constant 0 : index
    %get3A_43 = vector.load %arg7[%get3A_40, %get3A_41, %get3A_42] : memref<3x128x128xf32, #tpu.memory_space<vmem>>, vector<1x128x128xf32>
    %get3A_44 = vector.shape_cast %get3A_43 : vector<1x128x128xf32> to vector<128x128xf32>
    %dot_general3A_45 = arith.constant dense<0.000000e+00> : vector<1000x128xf32>
    %dot_general3A_46 = tpu.matmul %get3A_1, %get3A_44, %dot_general3A_45 {dimension_numbers = #tpu.dot_dimension_numbers<[1], [0], [0], [1], [0, 0, 1, 1], [], []>, transpose_lhs_hint = false} : vector<1000x128xf32>, vector<128x128xf32>, vector<1000x128xf32> -> vector<1000x128xf32>
    %get3A_47 = arith.constant 0 : index
    %get3A_48 = arith.constant 0 : index
    %get3A_49 = vector.load %arg8[%get3A_47, %get3A_48] : memref<3x128xf32, #tpu.memory_space<vmem>>, vector<1x128xf32>
    %add3A_50 = vector.broadcast %get3A_49 : vector<1x128xf32> to vector<1000x128xf32>
    %add3A_51 = arith.addf %dot_general3A_46, %add3A_50 : vector<1000x128xf32>
    %mul3A_52 = vector.broadcast %convert_element_type3A_12 : vector<1000x1xf32> to vector<1000x128xf32>
    %mul3A_53 = arith.mulf %mul3A_52, %add3A_51 : vector<1000x128xf32>
    %add3A_54 = arith.addf %broadcast_in_dim3A_9, %mul3A_53 : vector<1000x128xf32>
    %eq3A_55 = arith.constant 1 : i32
    %eq3A_56 = vector.broadcast %eq3A_55 : i32 to vector<1000x1xi32>
    %eq3A_57 = arith.cmpi eq, %get3A_4, %eq3A_56 : vector<1000x1xi32>
    %convert_element_type3A_58 = arith.extui %eq3A_57 : vector<1000x1xi1> to vector<1000x1xi32>
    %convert_element_type3A_59 = arith.sitofp %convert_element_type3A_58 : vector<1000x1xi32> to vector<1000x1xf32>
    %get3A_60 = arith.constant 1 : index
    %get3A_61 = arith.constant 0 : index
    %get3A_62 = arith.constant 0 : index
    %get3A_63 = vector.load %arg3[%get3A_60, %get3A_61, %get3A_62] : memref<3x128x128xf32, #tpu.memory_space<vmem>>, vector<1x128x128xf32>
    %get3A_64 = vector.shape_cast %get3A_63 : vector<1x128x128xf32> to vector<128x128xf32>
    %dot_general3A_65 = arith.constant dense<0.000000e+00> : vector<1000x128xf32>
    %dot_general3A_66 = tpu.matmul %get3A_1, %get3A_64, %dot_general3A_65 {dimension_numbers = #tpu.dot_dimension_numbers<[1], [0], [0], [1], [0, 0, 1, 1], [], []>, transpose_lhs_hint = false} : vector<1000x128xf32>, vector<128x128xf32>, vector<1000x128xf32> -> vector<1000x128xf32>
    %get3A_67 = arith.constant 1 : index
    %get3A_68 = arith.constant 0 : index
    %get3A_69 = vector.load %arg4[%get3A_67, %get3A_68] : memref<3x128xf32, #tpu.memory_space<vmem>>, vector<1x128xf32>
    %add3A_70 = vector.broadcast %get3A_69 : vector<1x128xf32> to vector<1000x128xf32>
    %add3A_71 = arith.addf %dot_general3A_66, %add3A_70 : vector<1000x128xf32>
    %mul3A_72 = vector.broadcast %convert_element_type3A_59 : vector<1000x1xf32> to vector<1000x128xf32>
    %mul3A_73 = arith.mulf %mul3A_72, %add3A_71 : vector<1000x128xf32>
    %add3A_74 = arith.addf %add3A_24, %mul3A_73 : vector<1000x128xf32>
    %get3A_75 = arith.constant 1 : index
    %get3A_76 = arith.constant 0 : index
    %get3A_77 = arith.constant 0 : index
    %get3A_78 = vector.load %arg5[%get3A_75, %get3A_76, %get3A_77] : memref<3x128x128xf32, #tpu.memory_space<vmem>>, vector<1x128x128xf32>
    %get3A_79 = vector.shape_cast %get3A_78 : vector<1x128x128xf32> to vector<128x128xf32>
    %dot_general3A_80 = arith.constant dense<0.000000e+00> : vector<1000x128xf32>
    %dot_general3A_81 = tpu.matmul %get3A_1, %get3A_79, %dot_general3A_80 {dimension_numbers = #tpu.dot_dimension_numbers<[1], [0], [0], [1], [0, 0, 1, 1], [], []>, transpose_lhs_hint = false} : vector<1000x128xf32>, vector<128x128xf32>, vector<1000x128xf32> -> vector<1000x128xf32>
    %get3A_82 = arith.constant 1 : index
    %get3A_83 = arith.constant 0 : index
    %get3A_84 = vector.load %arg6[%get3A_82, %get3A_83] : memref<3x128xf32, #tpu.memory_space<vmem>>, vector<1x128xf32>
    %add3A_85 = vector.broadcast %get3A_84 : vector<1x128xf32> to vector<1000x128xf32>
    %add3A_86 = arith.addf %dot_general3A_81, %add3A_85 : vector<1000x128xf32>
    %mul3A_87 = vector.broadcast %convert_element_type3A_59 : vector<1000x1xf32> to vector<1000x128xf32>
    %mul3A_88 = arith.mulf %mul3A_87, %add3A_86 : vector<1000x128xf32>
    %add3A_89 = arith.addf %add3A_39, %mul3A_88 : vector<1000x128xf32>
    %get3A_90 = arith.constant 1 : index
    %get3A_91 = arith.constant 0 : index
    %get3A_92 = arith.constant 0 : index
    %get3A_93 = vector.load %arg7[%get3A_90, %get3A_91, %get3A_92] : memref<3x128x128xf32, #tpu.memory_space<vmem>>, vector<1x128x128xf32>
    %get3A_94 = vector.shape_cast %get3A_93 : vector<1x128x128xf32> to vector<128x128xf32>
    %dot_general3A_95 = arith.constant dense<0.000000e+00> : vector<1000x128xf32>
    %dot_general3A_96 = tpu.matmul %get3A_1, %get3A_94, %dot_general3A_95 {dimension_numbers = #tpu.dot_dimension_numbers<[1], [0], [0], [1], [0, 0, 1, 1], [], []>, transpose_lhs_hint = false} : vector<1000x128xf32>, vector<128x128xf32>, vector<1000x128xf32> -> vector<1000x128xf32>
    %get3A_97 = arith.constant 1 : index
    %get3A_98 = arith.constant 0 : index
    %get3A_99 = vector.load %arg8[%get3A_97, %get3A_98] : memref<3x128xf32, #tpu.memory_space<vmem>>, vector<1x128xf32>
    %add3A_100 = vector.broadcast %get3A_99 : vector<1x128xf32> to vector<1000x128xf32>
    %add3A_101 = arith.addf %dot_general3A_96, %add3A_100 : vector<1000x128xf32>
    %mul3A_102 = vector.broadcast %convert_element_type3A_59 : vector<1000x1xf32> to vector<1000x128xf32>
    %mul3A_103 = arith.mulf %mul3A_102, %add3A_101 : vector<1000x128xf32>
    %add3A_104 = arith.addf %add3A_54, %mul3A_103 : vector<1000x128xf32>
    %eq3A_105 = arith.constant 2 : i32
    %eq3A_106 = vector.broadcast %eq3A_105 : i32 to vector<1000x1xi32>
    %eq3A_107 = arith.cmpi eq, %get3A_4, %eq3A_106 : vector<1000x1xi32>
    %convert_element_type3A_108 = arith.extui %eq3A_107 : vector<1000x1xi1> to vector<1000x1xi32>
    %convert_element_type3A_109 = arith.sitofp %convert_element_type3A_108 : vector<1000x1xi32> to vector<1000x1xf32>
    %get3A_110 = arith.constant 2 : index
    %get3A_111 = arith.constant 0 : index
    %get3A_112 = arith.constant 0 : index
    %get3A_113 = vector.load %arg3[%get3A_110, %get3A_111, %get3A_112] : memref<3x128x128xf32, #tpu.memory_space<vmem>>, vector<1x128x128xf32>
    %get3A_114 = vector.shape_cast %get3A_113 : vector<1x128x128xf32> to vector<128x128xf32>
    %dot_general3A_115 = arith.constant dense<0.000000e+00> : vector<1000x128xf32>
    %dot_general3A_116 = tpu.matmul %get3A_1, %get3A_114, %dot_general3A_115 {dimension_numbers = #tpu.dot_dimension_numbers<[1], [0], [0], [1], [0, 0, 1, 1], [], []>, transpose_lhs_hint = false} : vector<1000x128xf32>, vector<128x128xf32>, vector<1000x128xf32> -> vector<1000x128xf32>
    %get3A_117 = arith.constant 2 : index
    %get3A_118 = arith.constant 0 : index
    %get3A_119 = vector.load %arg4[%get3A_117, %get3A_118] : memref<3x128xf32, #tpu.memory_space<vmem>>, vector<1x128xf32>
    %add3A_120 = vector.broadcast %get3A_119 : vector<1x128xf32> to vector<1000x128xf32>
    %add3A_121 = arith.addf %dot_general3A_116, %add3A_120 : vector<1000x128xf32>
    %mul3A_122 = vector.broadcast %convert_element_type3A_109 : vector<1000x1xf32> to vector<1000x128xf32>
    %mul3A_123 = arith.mulf %mul3A_122, %add3A_121 : vector<1000x128xf32>
    %add3A_124 = arith.addf %add3A_74, %mul3A_123 : vector<1000x128xf32>
    %get3A_125 = arith.constant 2 : index
    %get3A_126 = arith.constant 0 : index
    %get3A_127 = arith.constant 0 : index
    %get3A_128 = vector.load %arg5[%get3A_125, %get3A_126, %get3A_127] : memref<3x128x128xf32, #tpu.memory_space<vmem>>, vector<1x128x128xf32>
    %get3A_129 = vector.shape_cast %get3A_128 : vector<1x128x128xf32> to vector<128x128xf32>
    %dot_general3A_130 = arith.constant dense<0.000000e+00> : vector<1000x128xf32>
    %dot_general3A_131 = tpu.matmul %get3A_1, %get3A_129, %dot_general3A_130 {dimension_numbers = #tpu.dot_dimension_numbers<[1], [0], [0], [1], [0, 0, 1, 1], [], []>, transpose_lhs_hint = false} : vector<1000x128xf32>, vector<128x128xf32>, vector<1000x128xf32> -> vector<1000x128xf32>
    %get3A_132 = arith.constant 2 : index
    %get3A_133 = arith.constant 0 : index
    %get3A_134 = vector.load %arg6[%get3A_132, %get3A_133] : memref<3x128xf32, #tpu.memory_space<vmem>>, vector<1x128xf32>
    %add3A_135 = vector.broadcast %get3A_134 : vector<1x128xf32> to vector<1000x128xf32>
    %add3A_136 = arith.addf %dot_general3A_131, %add3A_135 : vector<1000x128xf32>
    %mul3A_137 = vector.broadcast %convert_element_type3A_109 : vector<1000x1xf32> to vector<1000x128xf32>
    %mul3A_138 = arith.mulf %mul3A_137, %add3A_136 : vector<1000x128xf32>
    %add3A_139 = arith.addf %add3A_89, %mul3A_138 : vector<1000x128xf32>
    %get3A_140 = arith.constant 2 : index
    %get3A_141 = arith.constant 0 : index
    %get3A_142 = arith.constant 0 : index
    %get3A_143 = vector.load %arg7[%get3A_140, %get3A_141, %get3A_142] : memref<3x128x128xf32, #tpu.memory_space<vmem>>, vector<1x128x128xf32>
    %get3A_144 = vector.shape_cast %get3A_143 : vector<1x128x128xf32> to vector<128x128xf32>
    %dot_general3A_145 = arith.constant dense<0.000000e+00> : vector<1000x128xf32>
    %dot_general3A_146 = tpu.matmul %get3A_1, %get3A_144, %dot_general3A_145 {dimension_numbers = #tpu.dot_dimension_numbers<[1], [0], [0], [1], [0, 0, 1, 1], [], []>, transpose_lhs_hint = false} : vector<1000x128xf32>, vector<128x128xf32>, vector<1000x128xf32> -> vector<1000x128xf32>
    %get3A_147 = arith.constant 2 : index
    %get3A_148 = arith.constant 0 : index
    %get3A_149 = vector.load %arg8[%get3A_147, %get3A_148] : memref<3x128xf32, #tpu.memory_space<vmem>>, vector<1x128xf32>
    %add3A_150 = vector.broadcast %get3A_149 : vector<1x128xf32> to vector<1000x128xf32>
    %add3A_151 = arith.addf %dot_general3A_146, %add3A_150 : vector<1000x128xf32>
    %mul3A_152 = vector.broadcast %convert_element_type3A_109 : vector<1000x1xf32> to vector<1000x128xf32>
    %mul3A_153 = arith.mulf %mul3A_152, %add3A_151 : vector<1000x128xf32>
    %add3A_154 = arith.addf %add3A_104, %mul3A_153 : vector<1000x128xf32>
    %swap3A = arith.constant 0 : index
    %swap3A_155 = arith.constant 0 : index
    %swap3A_156 = vector.load %arg11[%swap3A, %swap3A_155] : memref<1000x128xf32, #tpu.memory_space<vmem>>, vector<1000x128xf32>
    tpu.vector_store %arg11[%swap3A, %swap3A_155], %add3A_139 {strides = array<i32>} : memref<1000x128xf32, #tpu.memory_space<vmem>>, vector<1000x128xf32>,
    %get3A_157 = arith.constant 0 : index
    %get3A_158 = arith.constant 0 : index
    %get3A_159 = arith.constant 0 : index
    %get3A_160 = vector.load %arg9[%get3A_157, %get3A_158, %get3A_159] : memref<5x128x128xf32, #tpu.memory_space<vmem>>, vector<1x128x128xf32>
    %get3A_161 = vector.shape_cast %get3A_160 : vector<1x128x128xf32> to vector<128x128xf32>
    %dot_general3A_162 = arith.constant dense<0.000000e+00> : vector<1000x128xf32>
    %dot_general3A_163 = tpu.matmul %add3A_124, %get3A_161, %dot_general3A_162 {dimension_numbers = #tpu.dot_dimension_numbers<[1], [0], [0], [1], [0, 0, 1, 1], [], []>, transpose_lhs_hint = false} : vector<1000x128xf32>, vector<128x128xf32>, vector<1000x128xf32> -> vector<1000x128xf32>
    %swap3A_164 = arith.constant 0 : index
    %swap3A_165 = arith.constant 0 : index
    %swap3A_166 = arith.constant 0 : index
    %swap3A_167 = vector.load %arg12[%swap3A_164, %swap3A_165, %swap3A_166] : memref<5x1000x128xf32, #tpu.memory_space<vmem>>, vector<1x1000x128xf32>
    %swap3A_168 = vector.shape_cast %swap3A_167 : vector<1x1000x128xf32> to vector<1000x128xf32>
    %swap3A_169 = vector.shape_cast %dot_general3A_163 : vector<1000x128xf32> to vector<1x1000x128xf32>
    tpu.vector_store %arg12[%swap3A_164, %swap3A_165, %swap3A_166], %swap3A_169 {strides = array<i32>} : memref<5x1000x128xf32, #tpu.memory_space<vmem>>, vector<1x1000x128xf32>,
    %get3A_170 = arith.constant 0 : index
    %get3A_171 = arith.constant 0 : index
    %get3A_172 = arith.constant 0 : index
    %get3A_173 = vector.load %arg10[%get3A_170, %get3A_171, %get3A_172] : memref<5x128x128xf32, #tpu.memory_space<vmem>>, vector<1x128x128xf32>
    %get3A_174 = vector.shape_cast %get3A_173 : vector<1x128x128xf32> to vector<128x128xf32>
    %dot_general3A_175 = arith.constant dense<0.000000e+00> : vector<1000x128xf32>
    %dot_general3A_176 = tpu.matmul %add3A_154, %get3A_174, %dot_general3A_175 {dimension_numbers = #tpu.dot_dimension_numbers<[1], [0], [0], [1], [0, 0, 1, 1], [], []>, transpose_lhs_hint = false} : vector<1000x128xf32>, vector<128x128xf32>, vector<1000x128xf32> -> vector<1000x128xf32>
    %swap3A_177 = arith.constant 0 : index
    %swap3A_178 = arith.constant 0 : index
    %swap3A_179 = arith.constant 0 : index
    %swap3A_180 = vector.load %arg13[%swap3A_177, %swap3A_178, %swap3A_179] : memref<5x1000x128xf32, #tpu.memory_space<vmem>>, vector<1x1000x128xf32>
    %swap3A_181 = vector.shape_cast %swap3A_180 : vector<1x1000x128xf32> to vector<1000x128xf32>
    %swap3A_182 = vector.shape_cast %dot_general3A_176 : vector<1000x128xf32> to vector<1x1000x128xf32>
    tpu.vector_store %arg13[%swap3A_177, %swap3A_178, %swap3A_179], %swap3A_182 {strides = array<i32>} : memref<5x1000x128xf32, #tpu.memory_space<vmem>>, vector<1x1000x128xf32>,
    %get3A_183 = arith.constant 1 : index
    %get3A_184 = arith.constant 0 : index
    %get3A_185 = arith.constant 0 : index
    %get3A_186 = vector.load %arg9[%get3A_183, %get3A_184, %get3A_185] : memref<5x128x128xf32, #tpu.memory_space<vmem>>, vector<1x128x128xf32>
    %get3A_187 = vector.shape_cast %get3A_186 : vector<1x128x128xf32> to vector<128x128xf32>
    %dot_general3A_188 = arith.constant dense<0.000000e+00> : vector<1000x128xf32>
    %dot_general3A_189 = tpu.matmul %add3A_124, %get3A_187, %dot_general3A_188 {dimension_numbers = #tpu.dot_dimension_numbers<[1], [0], [0], [1], [0, 0, 1, 1], [], []>, transpose_lhs_hint = false} : vector<1000x128xf32>, vector<128x128xf32>, vector<1000x128xf32> -> vector<1000x128xf32>
    %swap3A_190 = arith.constant 1 : index
    %swap3A_191 = arith.constant 0 : index
    %swap3A_192 = arith.constant 0 : index
    %swap3A_193 = vector.load %arg12[%swap3A_190, %swap3A_191, %swap3A_192] : memref<5x1000x128xf32, #tpu.memory_space<vmem>>, vector<1x1000x128xf32>
    %swap3A_194 = vector.shape_cast %swap3A_193 : vector<1x1000x128xf32> to vector<1000x128xf32>
    %swap3A_195 = vector.shape_cast %dot_general3A_189 : vector<1000x128xf32> to vector<1x1000x128xf32>
    tpu.vector_store %arg12[%swap3A_190, %swap3A_191, %swap3A_192], %swap3A_195 {strides = array<i32>} : memref<5x1000x128xf32, #tpu.memory_space<vmem>>, vector<1x1000x128xf32>,
    %get3A_196 = arith.constant 1 : index
    %get3A_197 = arith.constant 0 : index
    %get3A_198 = arith.constant 0 : index
    %get3A_199 = vector.load %arg10[%get3A_196, %get3A_197, %get3A_198] : memref<5x128x128xf32, #tpu.memory_space<vmem>>, vector<1x128x128xf32>
    %get3A_200 = vector.shape_cast %get3A_199 : vector<1x128x128xf32> to vector<128x128xf32>
    %dot_general3A_201 = arith.constant dense<0.000000e+00> : vector<1000x128xf32>
    %dot_general3A_202 = tpu.matmul %add3A_154, %get3A_200, %dot_general3A_201 {dimension_numbers = #tpu.dot_dimension_numbers<[1], [0], [0], [1], [0, 0, 1, 1], [], []>, transpose_lhs_hint = false} : vector<1000x128xf32>, vector<128x128xf32>, vector<1000x128xf32> -> vector<1000x128xf32>
    %swap3A_203 = arith.constant 1 : index
    %swap3A_204 = arith.constant 0 : index
    %swap3A_205 = arith.constant 0 : index
    %swap3A_206 = vector.load %arg13[%swap3A_203, %swap3A_204, %swap3A_205] : memref<5x1000x128xf32, #tpu.memory_space<vmem>>, vector<1x1000x128xf32>
    %swap3A_207 = vector.shape_cast %swap3A_206 : vector<1x1000x128xf32> to vector<1000x128xf32>
    %swap3A_208 = vector.shape_cast %dot_general3A_202 : vector<1000x128xf32> to vector<1x1000x128xf32>
    tpu.vector_store %arg13[%swap3A_203, %swap3A_204, %swap3A_205], %swap3A_208 {strides = array<i32>} : memref<5x1000x128xf32, #tpu.memory_space<vmem>>, vector<1x1000x128xf32>,
    %get3A_209 = arith.constant 2 : index
    %get3A_210 = arith.constant 0 : index
    %get3A_211 = arith.constant 0 : index
    %get3A_212 = vector.load %arg9[%get3A_209, %get3A_210, %get3A_211] : memref<5x128x128xf32, #tpu.memory_space<vmem>>, vector<1x128x128xf32>
    %get3A_213 = vector.shape_cast %get3A_212 : vector<1x128x128xf32> to vector<128x128xf32>
    %dot_general3A_214 = arith.constant dense<0.000000e+00> : vector<1000x128xf32>
    %dot_general3A_215 = tpu.matmul %add3A_124, %get3A_213, %dot_general3A_214 {dimension_numbers = #tpu.dot_dimension_numbers<[1], [0], [0], [1], [0, 0, 1, 1], [], []>, transpose_lhs_hint = false} : vector<1000x128xf32>, vector<128x128xf32>, vector<1000x128xf32> -> vector<1000x128xf32>
    %swap3A_216 = arith.constant 2 : index
    %swap3A_217 = arith.constant 0 : index
    %swap3A_218 = arith.constant 0 : index
    %swap3A_219 = vector.load %arg12[%swap3A_216, %swap3A_217, %swap3A_218] : memref<5x1000x128xf32, #tpu.memory_space<vmem>>, vector<1x1000x128xf32>
    %swap3A_220 = vector.shape_cast %swap3A_219 : vector<1x1000x128xf32> to vector<1000x128xf32>
    %swap3A_221 = vector.shape_cast %dot_general3A_215 : vector<1000x128xf32> to vector<1x1000x128xf32>
    tpu.vector_store %arg12[%swap3A_216, %swap3A_217, %swap3A_218], %swap3A_221 {strides = array<i32>} : memref<5x1000x128xf32, #tpu.memory_space<vmem>>, vector<1x1000x128xf32>,
    %get3A_222 = arith.constant 2 : index
    %get3A_223 = arith.constant 0 : index
    %get3A_224 = arith.constant 0 : index
    %get3A_225 = vector.load %arg10[%get3A_222, %get3A_223, %get3A_224] : memref<5x128x128xf32, #tpu.memory_space<vmem>>, vector<1x128x128xf32>
    %get3A_226 = vector.shape_cast %get3A_225 : vector<1x128x128xf32> to vector<128x128xf32>
    %dot_general3A_227 = arith.constant dense<0.000000e+00> : vector<1000x128xf32>
    %dot_general3A_228 = tpu.matmul %add3A_154, %get3A_226, %dot_general3A_227 {dimension_numbers = #tpu.dot_dimension_numbers<[1], [0], [0], [1], [0, 0, 1, 1], [], []>, transpose_lhs_hint = false} : vector<1000x128xf32>, vector<128x128xf32>, vector<1000x128xf32> -> vector<1000x128xf32>
    %swap3A_229 = arith.constant 2 : index
    %swap3A_230 = arith.constant 0 : index
    %swap3A_231 = arith.constant 0 : index
    %swap3A_232 = vector.load %arg13[%swap3A_229, %swap3A_230, %swap3A_231] : memref<5x1000x128xf32, #tpu.memory_space<vmem>>, vector<1x1000x128xf32>
    %swap3A_233 = vector.shape_cast %swap3A_232 : vector<1x1000x128xf32> to vector<1000x128xf32>
    %swap3A_234 = vector.shape_cast %dot_general3A_228 : vector<1000x128xf32> to vector<1x1000x128xf32>
    tpu.vector_store %arg13[%swap3A_229, %swap3A_230, %swap3A_231], %swap3A_234 {strides = array<i32>} : memref<5x1000x128xf32, #tpu.memory_space<vmem>>, vector<1x1000x128xf32>,
    %get3A_235 = arith.constant 3 : index
    %get3A_236 = arith.constant 0 : index
    %get3A_237 = arith.constant 0 : index
    %get3A_238 = vector.load %arg9[%get3A_235, %get3A_236, %get3A_237] : memref<5x128x128xf32, #tpu.memory_space<vmem>>, vector<1x128x128xf32>
    %get3A_239 = vector.shape_cast %get3A_238 : vector<1x128x128xf32> to vector<128x128xf32>
    %dot_general3A_240 = arith.constant dense<0.000000e+00> : vector<1000x128xf32>
    %dot_general3A_241 = tpu.matmul %add3A_124, %get3A_239, %dot_general3A_240 {dimension_numbers = #tpu.dot_dimension_numbers<[1], [0], [0], [1], [0, 0, 1, 1], [], []>, transpose_lhs_hint = false} : vector<1000x128xf32>, vector<128x128xf32>, vector<1000x128xf32> -> vector<1000x128xf32>
    %swap3A_242 = arith.constant 3 : index
    %swap3A_243 = arith.constant 0 : index
    %swap3A_244 = arith.constant 0 : index
    %swap3A_245 = vector.load %arg12[%swap3A_242, %swap3A_243, %swap3A_244] : memref<5x1000x128xf32, #tpu.memory_space<vmem>>, vector<1x1000x128xf32>
    %swap3A_246 = vector.shape_cast %swap3A_245 : vector<1x1000x128xf32> to vector<1000x128xf32>
    %swap3A_247 = vector.shape_cast %dot_general3A_241 : vector<1000x128xf32> to vector<1x1000x128xf32>
    tpu.vector_store %arg12[%swap3A_242, %swap3A_243, %swap3A_244], %swap3A_247 {strides = array<i32>} : memref<5x1000x128xf32, #tpu.memory_space<vmem>>, vector<1x1000x128xf32>,
    %get3A_248 = arith.constant 3 : index
    %get3A_249 = arith.constant 0 : index
    %get3A_250 = arith.constant 0 : index
    %get3A_251 = vector.load %arg10[%get3A_248, %get3A_249, %get3A_250] : memref<5x128x128xf32, #tpu.memory_space<vmem>>, vector<1x128x128xf32>
    %get3A_252 = vector.shape_cast %get3A_251 : vector<1x128x128xf32> to vector<128x128xf32>
    %dot_general3A_253 = arith.constant dense<0.000000e+00> : vector<1000x128xf32>
    %dot_general3A_254 = tpu.matmul %add3A_154, %get3A_252, %dot_general3A_253 {dimension_numbers = #tpu.dot_dimension_numbers<[1], [0], [0], [1], [0, 0, 1, 1], [], []>, transpose_lhs_hint = false} : vector<1000x128xf32>, vector<128x128xf32>, vector<1000x128xf32> -> vector<1000x128xf32>
    %swap3A_255 = arith.constant 3 : index
    %swap3A_256 = arith.constant 0 : index
    %swap3A_257 = arith.constant 0 : index
    %swap3A_258 = vector.load %arg13[%swap3A_255, %swap3A_256, %swap3A_257] : memref<5x1000x128xf32, #tpu.memory_space<vmem>>, vector<1x1000x128xf32>
    %swap3A_259 = vector.shape_cast %swap3A_258 : vector<1x1000x128xf32> to vector<1000x128xf32>
    %swap3A_260 = vector.shape_cast %dot_general3A_254 : vector<1000x128xf32> to vector<1x1000x128xf32>
    tpu.vector_store %arg13[%swap3A_255, %swap3A_256, %swap3A_257], %swap3A_260 {strides = array<i32>} : memref<5x1000x128xf32, #tpu.memory_space<vmem>>, vector<1x1000x128xf32>,
    %get3A_261 = arith.constant 4 : index
    %get3A_262 = arith.constant 0 : index
    %get3A_263 = arith.constant 0 : index
    %get3A_264 = vector.load %arg9[%get3A_261, %get3A_262, %get3A_263] : memref<5x128x128xf32, #tpu.memory_space<vmem>>, vector<1x128x128xf32>
    %get3A_265 = vector.shape_cast %get3A_264 : vector<1x128x128xf32> to vector<128x128xf32>
    %dot_general3A_266 = arith.constant dense<0.000000e+00> : vector<1000x128xf32>
    %dot_general3A_267 = tpu.matmul %add3A_124, %get3A_265, %dot_general3A_266 {dimension_numbers = #tpu.dot_dimension_numbers<[1], [0], [0], [1], [0, 0, 1, 1], [], []>, transpose_lhs_hint = false} : vector<1000x128xf32>, vector<128x128xf32>, vector<1000x128xf32> -> vector<1000x128xf32>
    %swap3A_268 = arith.constant 4 : index
    %swap3A_269 = arith.constant 0 : index
    %swap3A_270 = arith.constant 0 : index
    %swap3A_271 = vector.load %arg12[%swap3A_268, %swap3A_269, %swap3A_270] : memref<5x1000x128xf32, #tpu.memory_space<vmem>>, vector<1x1000x128xf32>
    %swap3A_272 = vector.shape_cast %swap3A_271 : vector<1x1000x128xf32> to vector<1000x128xf32>
    %swap3A_273 = vector.shape_cast %dot_general3A_267 : vector<1000x128xf32> to vector<1x1000x128xf32>
    tpu.vector_store %arg12[%swap3A_268, %swap3A_269, %swap3A_270], %swap3A_273 {strides = array<i32>} : memref<5x1000x128xf32, #tpu.memory_space<vmem>>, vector<1x1000x128xf32>,
    %get3A_274 = arith.constant 4 : index
    %get3A_275 = arith.constant 0 : index
    %get3A_276 = arith.constant 0 : index
    %get3A_277 = vector.load %arg10[%get3A_274, %get3A_275, %get3A_276] : memref<5x128x128xf32, #tpu.memory_space<vmem>>, vector<1x128x128xf32>
    %get3A_278 = vector.shape_cast %get3A_277 : vector<1x128x128xf32> to vector<128x128xf32>
    %dot_general3A_279 = arith.constant dense<0.000000e+00> : vector<1000x128xf32>
    %dot_general3A_280 = tpu.matmul %add3A_154, %get3A_278, %dot_general3A_279 {dimension_numbers = #tpu.dot_dimension_numbers<[1], [0], [0], [1], [0, 0, 1, 1], [], []>, transpose_lhs_hint = false} : vector<1000x128xf32>, vector<128x128xf32>, vector<1000x128xf32> -> vector<1000x128xf32>
    %swap3A_281 = arith.constant 4 : index
    %swap3A_282 = arith.constant 0 : index
    %swap3A_283 = arith.constant 0 : index
    %swap3A_284 = vector.load %arg13[%swap3A_281, %swap3A_282, %swap3A_283] : memref<5x1000x128xf32, #tpu.memory_space<vmem>>, vector<1x1000x128xf32>
    %swap3A_285 = vector.shape_cast %swap3A_284 : vector<1x1000x128xf32> to vector<1000x128xf32>
    %swap3A_286 = vector.shape_cast %dot_general3A_280 : vector<1000x128xf32> to vector<1x1000x128xf32>
    tpu.vector_store %arg13[%swap3A_281, %swap3A_282, %swap3A_283], %swap3A_286 {strides = array<i32>} : memref<5x1000x128xf32, #tpu.memory_space<vmem>>, vector<1x1000x128xf32>,
    return
  }
  func.func @transform_0(%arg0: i32) -> (i32, i32) {
    %c0_i32 = arith.constant 0 : i32
    %c0_i32_0 = arith.constant 0 : i32
    return %arg0, %c0_i32 : i32, i32
  }
  func.func @transform_1(%arg0: i32) -> (i32, i32) {
    %c0_i32 = arith.constant 0 : i32
    %c0_i32_0 = arith.constant 0 : i32
    return %arg0, %c0_i32 : i32, i32
  }
  func.func @transform_2(%arg0: i32) -> (i32, i32, i32) {
    %c0_i32 = arith.constant 0 : i32
    %c0_i32_0 = arith.constant 0 : i32
    %c0_i32_1 = arith.constant 0 : i32
    %c0_i32_2 = arith.constant 0 : i32
    return %c0_i32, %c0_i32_0, %c0_i32_1 : i32, i32, i32
  }
  func.func @transform_3(%arg0: i32) -> (i32, i32) {
    %c0_i32 = arith.constant 0 : i32
    %c0_i32_0 = arith.constant 0 : i32
    %c0_i32_1 = arith.constant 0 : i32
    return %c0_i32, %c0_i32_0 : i32, i32
  }
  func.func @transform_4(%arg0: i32) -> (i32, i32, i32) {
    %c0_i32 = arith.constant 0 : i32
    %c0_i32_0 = arith.constant 0 : i32
    %c0_i32_1 = arith.constant 0 : i32
    %c0_i32_2 = arith.constant 0 : i32
    return %c0_i32, %c0_i32_0, %c0_i32_1 : i32, i32, i32
  }
  func.func @transform_5(%arg0: i32) -> (i32, i32) {
    %c0_i32 = arith.constant 0 : i32
    %c0_i32_0 = arith.constant 0 : i32
    %c0_i32_1 = arith.constant 0 : i32
    return %c0_i32, %c0_i32_0 : i32, i32
  }
  func.func @transform_6(%arg0: i32) -> (i32, i32, i32) {
    %c0_i32 = arith.constant 0 : i32
    %c0_i32_0 = arith.constant 0 : i32
    %c0_i32_1 = arith.constant 0 : i32
    %c0_i32_2 = arith.constant 0 : i32
    return %c0_i32, %c0_i32_0, %c0_i32_1 : i32, i32, i32
  }
  func.func @transform_7(%arg0: i32) -> (i32, i32) {
    %c0_i32 = arith.constant 0 : i32
    %c0_i32_0 = arith.constant 0 : i32
    %c0_i32_1 = arith.constant 0 : i32
    return %c0_i32, %c0_i32_0 : i32, i32
  }
  func.func @transform_8(%arg0: i32) -> (i32, i32, i32) {
    %c0_i32 = arith.constant 0 : i32
    %c0_i32_0 = arith.constant 0 : i32
    %c0_i32_1 = arith.constant 0 : i32
    %c0_i32_2 = arith.constant 0 : i32
    return %c0_i32, %c0_i32_0, %c0_i32_1 : i32, i32, i32
  }
  func.func @transform_9(%arg0: i32) -> (i32, i32, i32) {
    %c0_i32 = arith.constant 0 : i32
    %c0_i32_0 = arith.constant 0 : i32
    %c0_i32_1 = arith.constant 0 : i32
    %c0_i32_2 = arith.constant 0 : i32
    return %c0_i32, %c0_i32_0, %c0_i32_1 : i32, i32, i32
  }
  func.func @transform_10(%arg0: i32) -> (i32, i32) {
    %c0_i32 = arith.constant 0 : i32
    %c0_i32_0 = arith.constant 0 : i32
    return %arg0, %c0_i32 : i32, i32
  }
  func.func @transform_11(%arg0: i32) -> (i32, i32, i32) {
    %c0_i32 = arith.constant 0 : i32
    %c0_i32_0 = arith.constant 0 : i32
    %c0_i32_1 = arith.constant 0 : i32
    return %c0_i32, %arg0, %c0_i32_0 : i32, i32, i32
  }
  func.func @transform_12(%arg0: i32) -> (i32, i32, i32) {
    %c0_i32 = arith.constant 0 : i32
    %c0_i32_0 = arith.constant 0 : i32
    %c0_i32_1 = arith.constant 0 : i32
    return %c0_i32, %arg0, %c0_i32_0 : i32, i32, i32
  }
}

module attributes {stable_mosaic.version = 14 : i64} {
  func.func @_att_body(%arg0: i32, %arg1: memref<2560x128xf32, #tpu.memory_space<vmem>>, %arg2: memref<2560x128xf32, #tpu.memory_space<vmem>>, %arg3: memref<2560x128xf32, #tpu.memory_space<vmem>>, %arg4: memref<128x8xf32, #tpu.memory_space<vmem>>, %arg5: memref<8x64xf32, #tpu.memory_space<vmem>>, %arg6: memref<8x64xf32, #tpu.memory_space<vmem>>, %arg7: memref<8x16xf32, #tpu.memory_space<vmem>>, %arg8: memref<2560x80xf32, #tpu.memory_space<vmem>>, %arg9: memref<2560x80xf32, #tpu.memory_space<vmem>>) attributes {dimension_semantics = [#tpu.dimension_semantics<arbitrary>], iteration_bounds = array<i64: 125>, scalar_prefetch = 0 : i64, scratch_operands = 0 : i64, tpu.core_type = #tpu.core_type<tc>, window_params = [{transform_indices = @transform_0, window_bounds = array<i64: 2560, 128>}, {transform_indices = @transform_1, window_bounds = array<i64: 2560, 128>}, {transform_indices = @transform_2, window_bounds = array<i64: 2560, 128>}, {pipeline_mode = #tpu.pipeline_mode<synchronous>, transform_indices = @transform_3, window_bounds = array<i64: 128, 8>}, {pipeline_mode = #tpu.pipeline_mode<synchronous>, transform_indices = @transform_4, window_bounds = array<i64: 8, 64>}, {pipeline_mode = #tpu.pipeline_mode<synchronous>, transform_indices = @transform_5, window_bounds = array<i64: 8, 64>}, {pipeline_mode = #tpu.pipeline_mode<synchronous>, transform_indices = @transform_6, window_bounds = array<i64: 8, 16>}, {transform_indices = @transform_7, window_bounds = array<i64: 2560, 80>}, {transform_indices = @transform_8, window_bounds = array<i64: 2560, 80>}]} {
    %get3A = arith.constant 0 : index
    %get3A_0 = arith.constant 0 : index
    %get3A_1 = vector.load %arg1[%get3A, %get3A_0] : memref<2560x128xf32, #tpu.memory_space<vmem>>, vector<2560x128xf32>
    %get3A_2 = arith.constant 0 : index
    %get3A_3 = arith.constant 0 : index
    %get3A_4 = vector.load %arg2[%get3A_2, %get3A_3] : memref<2560x128xf32, #tpu.memory_space<vmem>>, vector<2560x128xf32>
    %mul3A = arith.mulf %get3A_1, %get3A_4 : vector<2560x128xf32>
    %get3A_5 = arith.constant 0 : index
    %get3A_6 = arith.constant 0 : index
    %get3A_7 = vector.load %arg4[%get3A_5, %get3A_6] : memref<128x8xf32, #tpu.memory_space<vmem>>, vector<128x8xf32>
    %dot_general3A = arith.constant dense<0.000000e+00> : vector<2560x8xf32>
    %dot_general3A_8 = tpu.matmul %mul3A, %get3A_7, %dot_general3A {dimension_numbers = #tpu.dot_dimension_numbers<[1], [0], [0], [1], [0, 0, 1, 1], [], []>, precision = #tpu.contract_precision<fp32>, transpose_lhs_hint = false} : vector<2560x128xf32>, vector<128x8xf32>, vector<2560x8xf32> -> vector<2560x8xf32>
    %exp3A = math.exp %dot_general3A_8 : vector<2560x8xf32>
    %get3A_9 = arith.constant 0 : index
    %get3A_10 = arith.constant 0 : index
    %get3A_11 = vector.load %arg5[%get3A_9, %get3A_10] : memref<8x64xf32, #tpu.memory_space<vmem>>, vector<8x64xf32>
    %dot_general3A_12 = arith.constant dense<0.000000e+00> : vector<2560x64xf32>
    %dot_general3A_13 = tpu.matmul %exp3A, %get3A_11, %dot_general3A_12 {dimension_numbers = #tpu.dot_dimension_numbers<[1], [0], [0], [1], [0, 0, 1, 1], [], []>, transpose_lhs_hint = false} : vector<2560x8xf32>, vector<8x64xf32>, vector<2560x64xf32> -> vector<2560x64xf32>
    %get3A_14 = arith.constant 0 : index
    %get3A_15 = arith.constant 0 : index
    %get3A_16 = vector.load %arg6[%get3A_14, %get3A_15] : memref<8x64xf32, #tpu.memory_space<vmem>>, vector<8x64xf32>
    %dot_general3A_17 = arith.constant dense<0.000000e+00> : vector<2560x64xf32>
    %dot_general3A_18 = tpu.matmul %exp3A, %get3A_16, %dot_general3A_17 {dimension_numbers = #tpu.dot_dimension_numbers<[1], [0], [0], [1], [0, 0, 1, 1], [], []>, transpose_lhs_hint = false} : vector<2560x8xf32>, vector<8x64xf32>, vector<2560x64xf32> -> vector<2560x64xf32>
    %get3A_19 = arith.constant 0 : index
    %get3A_20 = arith.constant 0 : index
    %get3A_21 = vector.load %arg7[%get3A_19, %get3A_20] : memref<8x16xf32, #tpu.memory_space<vmem>>, vector<8x16xf32>
    %dot_general3A_22 = arith.constant dense<0.000000e+00> : vector<2560x16xf32>
    %dot_general3A_23 = tpu.matmul %exp3A, %get3A_21, %dot_general3A_22 {dimension_numbers = #tpu.dot_dimension_numbers<[1], [0], [0], [1], [0, 0, 1, 1], [], []>, transpose_lhs_hint = false} : vector<2560x8xf32>, vector<8x16xf32>, vector<2560x16xf32> -> vector<2560x16xf32>
    %get3A_24 = arith.constant 0 : index
    %get3A_25 = arith.constant 0 : index
    %get3A_26 = vector.load %arg3[%get3A_24, %get3A_25] : memref<2560x128xf32, #tpu.memory_space<vmem>>, vector<2560x128xf32>
    %slice3A = vector.extract_strided_slice %get3A_26 {offsets = [0, 0], sizes = [2560, 64], strides = [1, 1]} : vector<2560x128xf32> to vector<2560x64xf32>
    %mul3A_27 = arith.mulf %slice3A, %dot_general3A_13 : vector<2560x64xf32>
    %concatenate3A = tpu.concatenate %mul3A_27, %dot_general3A_23 in 1 : vector<2560x64xf32>, vector<2560x16xf32> -> vector<2560x80xf32>
    %swap3A = arith.constant 0 : index
    %swap3A_28 = arith.constant 0 : index
    %swap3A_29 = vector.load %arg8[%swap3A, %swap3A_28] : memref<2560x80xf32, #tpu.memory_space<vmem>>, vector<2560x80xf32>
    tpu.vector_store %arg8[%swap3A, %swap3A_28], %concatenate3A {strides = array<i32>} : memref<2560x80xf32, #tpu.memory_space<vmem>>, vector<2560x80xf32>,
    %slice3A_30 = vector.extract_strided_slice %get3A_26 {offsets = [0, 64], sizes = [2560, 64], strides = [1, 1]} : vector<2560x128xf32> to vector<2560x64xf32>
    %mul3A_31 = arith.mulf %slice3A_30, %dot_general3A_18 : vector<2560x64xf32>
    %concatenate3A_32 = tpu.concatenate %mul3A_31, %dot_general3A_23 in 1 : vector<2560x64xf32>, vector<2560x16xf32> -> vector<2560x80xf32>
    %swap3A_33 = arith.constant 0 : index
    %swap3A_34 = arith.constant 0 : index
    %swap3A_35 = vector.load %arg9[%swap3A_33, %swap3A_34] : memref<2560x80xf32, #tpu.memory_space<vmem>>, vector<2560x80xf32>
    tpu.vector_store %arg9[%swap3A_33, %swap3A_34], %concatenate3A_32 {strides = array<i32>} : memref<2560x80xf32, #tpu.memory_space<vmem>>, vector<2560x80xf32>,
    return
  }
  func.func @transform_0(%arg0: i32) -> (i32, i32) {
    %c0_i32 = arith.constant 0 : i32
    %c0_i32_0 = arith.constant 0 : i32
    return %arg0, %c0_i32 : i32, i32
  }
  func.func @transform_1(%arg0: i32) -> (i32, i32) {
    %c0_i32 = arith.constant 0 : i32
    %c0_i32_0 = arith.constant 0 : i32
    return %arg0, %c0_i32 : i32, i32
  }
  func.func @transform_2(%arg0: i32) -> (i32, i32) {
    %c0_i32 = arith.constant 0 : i32
    %c0_i32_0 = arith.constant 0 : i32
    return %arg0, %c0_i32 : i32, i32
  }
  func.func @transform_3(%arg0: i32) -> (i32, i32) {
    %c0_i32 = arith.constant 0 : i32
    %c0_i32_0 = arith.constant 0 : i32
    %c0_i32_1 = arith.constant 0 : i32
    return %c0_i32, %c0_i32_0 : i32, i32
  }
  func.func @transform_4(%arg0: i32) -> (i32, i32) {
    %c0_i32 = arith.constant 0 : i32
    %c0_i32_0 = arith.constant 0 : i32
    %c0_i32_1 = arith.constant 0 : i32
    return %c0_i32, %c0_i32_0 : i32, i32
  }
  func.func @transform_5(%arg0: i32) -> (i32, i32) {
    %c0_i32 = arith.constant 0 : i32
    %c0_i32_0 = arith.constant 0 : i32
    %c0_i32_1 = arith.constant 0 : i32
    return %c0_i32, %c0_i32_0 : i32, i32
  }
  func.func @transform_6(%arg0: i32) -> (i32, i32) {
    %c0_i32 = arith.constant 0 : i32
    %c0_i32_0 = arith.constant 0 : i32
    %c0_i32_1 = arith.constant 0 : i32
    return %c0_i32, %c0_i32_0 : i32, i32
  }
  func.func @transform_7(%arg0: i32) -> (i32, i32) {
    %c0_i32 = arith.constant 0 : i32
    %c0_i32_0 = arith.constant 0 : i32
    return %arg0, %c0_i32 : i32, i32
  }
  func.func @transform_8(%arg0: i32) -> (i32, i32) {
    %c0_i32 = arith.constant 0 : i32
    %c0_i32_0 = arith.constant 0 : i32
    return %arg0, %c0_i32 : i32, i32
  }
}

module attributes {stable_mosaic.version = 14 : i64} {
  func.func @_final_body(%arg0: i32, %arg1: memref<2x1000x80xf32, #tpu.memory_space<vmem>>, %arg2: memref<2x1000x80xf32, #tpu.memory_space<vmem>>, %arg3: memref<1000x128xf32, #tpu.memory_space<vmem>>, %arg4: memref<1000x1xi32, #tpu.memory_space<vmem>>, %arg5: memref<3x64x128xf32, #tpu.memory_space<vmem>>, %arg6: memref<3x64x128xf32, #tpu.memory_space<vmem>>, %arg7: memref<3x128xf32, #tpu.memory_space<vmem>>, %arg8: memref<1x3xf32, #tpu.memory_space<vmem>>, %arg9: memref<3x128xf32, #tpu.memory_space<vmem>>, %arg10: memref<3x128xf32, #tpu.memory_space<vmem>>, %arg11: memref<16x64xf32, #tpu.memory_space<vmem>>, %arg12: memref<16x64xf32, #tpu.memory_space<vmem>>, %arg13: memref<1000x128xf32, #tpu.memory_space<vmem>>) attributes {dimension_semantics = [#tpu.dimension_semantics<arbitrary>], iteration_bounds = array<i64: 10>, scalar_prefetch = 0 : i64, scratch_operands = 0 : i64, tpu.core_type = #tpu.core_type<tc>, window_params = [{transform_indices = @transform_0, window_bounds = array<i64: 2, 1000, 80>}, {transform_indices = @transform_1, window_bounds = array<i64: 2, 1000, 80>}, {transform_indices = @transform_2, window_bounds = array<i64: 1000, 128>}, {transform_indices = @transform_3, window_bounds = array<i64: 1000, 1>}, {pipeline_mode = #tpu.pipeline_mode<synchronous>, transform_indices = @transform_4, window_bounds = array<i64: 3, 64, 128>}, {pipeline_mode = #tpu.pipeline_mode<synchronous>, transform_indices = @transform_5, window_bounds = array<i64: 3, 64, 128>}, {pipeline_mode = #tpu.pipeline_mode<synchronous>, transform_indices = @transform_6, window_bounds = array<i64: 3, 128>}, {pipeline_mode = #tpu.pipeline_mode<synchronous>, transform_indices = @transform_7, window_bounds = array<i64: 1, 3>}, {pipeline_mode = #tpu.pipeline_mode<synchronous>, transform_indices = @transform_8, window_bounds = array<i64: 3, 128>}, {pipeline_mode = #tpu.pipeline_mode<synchronous>, transform_indices = @transform_9, window_bounds = array<i64: 3, 128>}, {pipeline_mode = #tpu.pipeline_mode<synchronous>, transform_indices = @transform_10, window_bounds = array<i64: 16, 64>}, {pipeline_mode = #tpu.pipeline_mode<synchronous>, transform_indices = @transform_11, window_bounds = array<i64: 16, 64>}, {transform_indices = @transform_12, window_bounds = array<i64: 1000, 128>}]} {
    %get3A = arith.constant 0 : index
    %get3A_0 = arith.constant 0 : index
    %get3A_1 = arith.constant 0 : index
    %get3A_2 = vector.load %arg1[%get3A, %get3A_0, %get3A_1] : memref<2x1000x80xf32, #tpu.memory_space<vmem>>, vector<1x1000x80xf32>
    %get3A_3 = vector.shape_cast %get3A_2 : vector<1x1000x80xf32> to vector<1000x80xf32>
    %get3A_4 = arith.constant 1 : index
    %get3A_5 = arith.constant 0 : index
    %get3A_6 = arith.constant 0 : index
    %get3A_7 = vector.load %arg1[%get3A_4, %get3A_5, %get3A_6] : memref<2x1000x80xf32, #tpu.memory_space<vmem>>, vector<1x1000x80xf32>
    %get3A_8 = vector.shape_cast %get3A_7 : vector<1x1000x80xf32> to vector<1000x80xf32>
    %add3A = arith.addf %get3A_3, %get3A_8 : vector<1000x80xf32>
    %get3A_9 = arith.constant 0 : index
    %get3A_10 = arith.constant 0 : index
    %get3A_11 = arith.constant 0 : index
    %get3A_12 = vector.load %arg2[%get3A_9, %get3A_10, %get3A_11] : memref<2x1000x80xf32, #tpu.memory_space<vmem>>, vector<1x1000x80xf32>
    %get3A_13 = vector.shape_cast %get3A_12 : vector<1x1000x80xf32> to vector<1000x80xf32>
    %get3A_14 = arith.constant 1 : index
    %get3A_15 = arith.constant 0 : index
    %get3A_16 = arith.constant 0 : index
    %get3A_17 = vector.load %arg2[%get3A_14, %get3A_15, %get3A_16] : memref<2x1000x80xf32, #tpu.memory_space<vmem>>, vector<1x1000x80xf32>
    %get3A_18 = vector.shape_cast %get3A_17 : vector<1x1000x80xf32> to vector<1000x80xf32>
    %add3A_19 = arith.addf %get3A_13, %get3A_18 : vector<1000x80xf32>
    %slice3A = vector.extract_strided_slice %add3A {offsets = [0, 0], sizes = [1000, 64], strides = [1, 1]} : vector<1000x80xf32> to vector<1000x64xf32>
    %slice3A_20 = vector.extract_strided_slice %add3A_19 {offsets = [0, 0], sizes = [1000, 64], strides = [1, 1]} : vector<1000x80xf32> to vector<1000x64xf32>
    %slice3A_21 = vector.extract_strided_slice %add3A {offsets = [0, 64], sizes = [1000, 16], strides = [1, 1]} : vector<1000x80xf32> to vector<1000x16xf32>
    %add3A_22 = arith.constant 1.000000e-16 : f32
    %add3A_23 = vector.broadcast %add3A_22 : f32 to vector<1000x16xf32>
    %add3A_24 = arith.addf %slice3A_21, %add3A_23 : vector<1000x16xf32>
    %div3A = arith.constant 1.000000e+00 : f32
    %div3A_25 = vector.broadcast %div3A : f32 to vector<1000x16xf32>
    %div3A_26 = arith.divf %div3A_25, %add3A_24 : vector<1000x16xf32>
    %get3A_27 = arith.constant 0 : index
    %get3A_28 = arith.constant 0 : index
    %get3A_29 = vector.load %arg11[%get3A_27, %get3A_28] : memref<16x64xf32, #tpu.memory_space<vmem>>, vector<16x64xf32>
    %dot_general3A = arith.constant dense<0.000000e+00> : vector<1000x64xf32>
    %dot_general3A_30 = tpu.matmul %div3A_26, %get3A_29, %dot_general3A {dimension_numbers = #tpu.dot_dimension_numbers<[1], [0], [0], [1], [0, 0, 1, 1], [], []>, transpose_lhs_hint = false} : vector<1000x16xf32>, vector<16x64xf32>, vector<1000x64xf32> -> vector<1000x64xf32>
    %get3A_31 = arith.constant 0 : index
    %get3A_32 = arith.constant 0 : index
    %get3A_33 = vector.load %arg12[%get3A_31, %get3A_32] : memref<16x64xf32, #tpu.memory_space<vmem>>, vector<16x64xf32>
    %dot_general3A_34 = arith.constant dense<0.000000e+00> : vector<1000x64xf32>
    %dot_general3A_35 = tpu.matmul %div3A_26, %get3A_33, %dot_general3A_34 {dimension_numbers = #tpu.dot_dimension_numbers<[1], [0], [0], [1], [0, 0, 1, 1], [], []>, transpose_lhs_hint = false} : vector<1000x16xf32>, vector<16x64xf32>, vector<1000x64xf32> -> vector<1000x64xf32>
    %mul3A = arith.mulf %slice3A, %dot_general3A_30 : vector<1000x64xf32>
    %mul3A_36 = arith.mulf %slice3A_20, %dot_general3A_35 : vector<1000x64xf32>
    %mul3A_37 = arith.constant 5.000000e-01 : f32
    %mul3A_38 = vector.broadcast %mul3A_37 : f32 to vector<1000x64xf32>
    %mul3A_39 = arith.mulf %mul3A_38, %mul3A : vector<1000x64xf32>
    %mul3A_40 = arith.constant 0.707106769 : f32
    %mul3A_41 = vector.broadcast %mul3A_40 : f32 to vector<1000x64xf32>
    %mul3A_42 = arith.mulf %mul3A, %mul3A_41 : vector<1000x64xf32>
    %erf3A = math.erf %mul3A_42 : vector<1000x64xf32>
    %add3A_43 = arith.constant 1.000000e+00 : f32
    %add3A_44 = vector.broadcast %add3A_43 : f32 to vector<1000x64xf32>
    %add3A_45 = arith.addf %add3A_44, %erf3A : vector<1000x64xf32>
    %mul3A_46 = arith.mulf %mul3A_39, %add3A_45 : vector<1000x64xf32>
    %mul3A_47 = arith.constant 5.000000e-01 : f32
    %mul3A_48 = vector.broadcast %mul3A_47 : f32 to vector<1000x64xf32>
    %mul3A_49 = arith.mulf %mul3A_48, %mul3A_36 : vector<1000x64xf32>
    %mul3A_50 = arith.constant 0.707106769 : f32
    %mul3A_51 = vector.broadcast %mul3A_50 : f32 to vector<1000x64xf32>
    %mul3A_52 = arith.mulf %mul3A_36, %mul3A_51 : vector<1000x64xf32>
    %erf3A_53 = math.erf %mul3A_52 : vector<1000x64xf32>
    %add3A_54 = arith.constant 1.000000e+00 : f32
    %add3A_55 = vector.broadcast %add3A_54 : f32 to vector<1000x64xf32>
    %add3A_56 = arith.addf %add3A_55, %erf3A_53 : vector<1000x64xf32>
    %mul3A_57 = arith.mulf %mul3A_49, %add3A_56 : vector<1000x64xf32>
    %get3A_58 = arith.constant 0 : index
    %get3A_59 = arith.constant 0 : index
    %get3A_60 = vector.load %arg3[%get3A_58, %get3A_59] : memref<1000x128xf32, #tpu.memory_space<vmem>>, vector<1000x128xf32>
    %get3A_61 = arith.constant 0 : index
    %get3A_62 = arith.constant 0 : index
    %get3A_63 = vector.load %arg4[%get3A_61, %get3A_62] : memref<1000x1xi32, #tpu.memory_space<vmem>>, vector<1000x1xi32>
    %get3A_64 = arith.constant 0 : index
    %get3A_65 = arith.constant 0 : index
    %get3A_66 = vector.load %arg8[%get3A_64, %get3A_65] : memref<1x3xf32, #tpu.memory_space<vmem>>, vector<1x3xf32>
    %logistic3A = arith.negf %get3A_66 : vector<1x3xf32>
    %logistic3A_67 = math.exp %logistic3A : vector<1x3xf32>
    %logistic3A_68 = arith.constant 1.000000e+00 : f32
    %logistic3A_69 = vector.broadcast %logistic3A_68 : f32 to vector<1x3xf32>
    %logistic3A_70 = arith.addf %logistic3A_69, %logistic3A_67 : vector<1x3xf32>
    %logistic3A_71 = arith.divf %logistic3A_69, %logistic3A_70 : vector<1x3xf32>
    %broadcast_in_dim3A = arith.constant 0.000000e+00 : f32
    %broadcast_in_dim3A_72 = vector.broadcast %broadcast_in_dim3A : f32 to vector<1000x128xf32>
    %broadcast_in_dim3A_73 = arith.constant 0.000000e+00 : f32
    %broadcast_in_dim3A_74 = vector.broadcast %broadcast_in_dim3A_73 : f32 to vector<1000x1xf32>
    %broadcast_in_dim3A_75 = arith.constant 0.000000e+00 : f32
    %broadcast_in_dim3A_76 = vector.broadcast %broadcast_in_dim3A_75 : f32 to vector<1000x128xf32>
    %broadcast_in_dim3A_77 = arith.constant 0.000000e+00 : f32
    %broadcast_in_dim3A_78 = vector.broadcast %broadcast_in_dim3A_77 : f32 to vector<1000x128xf32>
    %eq3A = arith.constant 0 : i32
    %eq3A_79 = vector.broadcast %eq3A : i32 to vector<1000x1xi32>
    %eq3A_80 = arith.cmpi eq, %get3A_63, %eq3A_79 : vector<1000x1xi32>
    %convert_element_type3A = arith.extui %eq3A_80 : vector<1000x1xi1> to vector<1000x1xi32>
    %convert_element_type3A_81 = arith.sitofp %convert_element_type3A : vector<1000x1xi32> to vector<1000x1xf32>
    %get3A_82 = arith.constant 0 : index
    %get3A_83 = arith.constant 0 : index
    %get3A_84 = arith.constant 0 : index
    %get3A_85 = vector.load %arg5[%get3A_82, %get3A_83, %get3A_84] : memref<3x64x128xf32, #tpu.memory_space<vmem>>, vector<1x64x128xf32>
    %get3A_86 = vector.shape_cast %get3A_85 : vector<1x64x128xf32> to vector<64x128xf32>
    %dot_general3A_87 = arith.constant dense<0.000000e+00> : vector<1000x128xf32>
    %dot_general3A_88 = tpu.matmul %mul3A_46, %get3A_86, %dot_general3A_87 {dimension_numbers = #tpu.dot_dimension_numbers<[1], [0], [0], [1], [0, 0, 1, 1], [], []>, transpose_lhs_hint = false} : vector<1000x64xf32>, vector<64x128xf32>, vector<1000x128xf32> -> vector<1000x128xf32>
    %get3A_89 = arith.constant 0 : index
    %get3A_90 = arith.constant 0 : index
    %get3A_91 = arith.constant 0 : index
    %get3A_92 = vector.load %arg6[%get3A_89, %get3A_90, %get3A_91] : memref<3x64x128xf32, #tpu.memory_space<vmem>>, vector<1x64x128xf32>
    %get3A_93 = vector.shape_cast %get3A_92 : vector<1x64x128xf32> to vector<64x128xf32>
    %dot_general3A_94 = arith.constant dense<0.000000e+00> : vector<1000x128xf32>
    %dot_general3A_95 = tpu.matmul %mul3A_57, %get3A_93, %dot_general3A_94 {dimension_numbers = #tpu.dot_dimension_numbers<[1], [0], [0], [1], [0, 0, 1, 1], [], []>, transpose_lhs_hint = false} : vector<1000x64xf32>, vector<64x128xf32>, vector<1000x128xf32> -> vector<1000x128xf32>
    %add3A_96 = arith.addf %dot_general3A_88, %dot_general3A_95 : vector<1000x128xf32>
    %get3A_97 = arith.constant 0 : index
    %get3A_98 = arith.constant 0 : index
    %get3A_99 = vector.load %arg7[%get3A_97, %get3A_98] : memref<3x128xf32, #tpu.memory_space<vmem>>, vector<1x128xf32>
    %add3A_100 = vector.broadcast %get3A_99 : vector<1x128xf32> to vector<1000x128xf32>
    %add3A_101 = arith.addf %add3A_96, %add3A_100 : vector<1000x128xf32>
    %mul3A_102 = vector.broadcast %convert_element_type3A_81 : vector<1000x1xf32> to vector<1000x128xf32>
    %mul3A_103 = arith.mulf %mul3A_102, %add3A_101 : vector<1000x128xf32>
    %add3A_104 = arith.addf %broadcast_in_dim3A_72, %mul3A_103 : vector<1000x128xf32>
    %slice3A_105 = vector.extract_strided_slice %logistic3A_71 {offsets = [0, 0], sizes = [1, 1], strides = [1, 1]} : vector<1x3xf32> to vector<1x1xf32>
    %mul3A_106 = vector.broadcast %slice3A_105 : vector<1x1xf32> to vector<1000x1xf32>
    %mul3A_107 = arith.mulf %convert_element_type3A_81, %mul3A_106 : vector<1000x1xf32>
    %add3A_108 = arith.addf %broadcast_in_dim3A_74, %mul3A_107 : vector<1000x1xf32>
    %get3A_109 = arith.constant 0 : index
    %get3A_110 = arith.constant 0 : index
    %get3A_111 = vector.load %arg9[%get3A_109, %get3A_110] : memref<3x128xf32, #tpu.memory_space<vmem>>, vector<1x128xf32>
    %mul3A_112 = vector.broadcast %convert_element_type3A_81 : vector<1000x1xf32> to vector<1000x128xf32>
    %mul3A_113 = vector.broadcast %get3A_111 : vector<1x128xf32> to vector<1000x128xf32>
    %mul3A_114 = arith.mulf %mul3A_112, %mul3A_113 : vector<1000x128xf32>
    %add3A_115 = arith.addf %broadcast_in_dim3A_76, %mul3A_114 : vector<1000x128xf32>
    %get3A_116 = arith.constant 0 : index
    %get3A_117 = arith.constant 0 : index
    %get3A_118 = vector.load %arg10[%get3A_116, %get3A_117] : memref<3x128xf32, #tpu.memory_space<vmem>>, vector<1x128xf32>
    %mul3A_119 = vector.broadcast %convert_element_type3A_81 : vector<1000x1xf32> to vector<1000x128xf32>
    %mul3A_120 = vector.broadcast %get3A_118 : vector<1x128xf32> to vector<1000x128xf32>
    %mul3A_121 = arith.mulf %mul3A_119, %mul3A_120 : vector<1000x128xf32>
    %add3A_122 = arith.addf %broadcast_in_dim3A_78, %mul3A_121 : vector<1000x128xf32>
    %eq3A_123 = arith.constant 1 : i32
    %eq3A_124 = vector.broadcast %eq3A_123 : i32 to vector<1000x1xi32>
    %eq3A_125 = arith.cmpi eq, %get3A_63, %eq3A_124 : vector<1000x1xi32>
    %convert_element_type3A_126 = arith.extui %eq3A_125 : vector<1000x1xi1> to vector<1000x1xi32>
    %convert_element_type3A_127 = arith.sitofp %convert_element_type3A_126 : vector<1000x1xi32> to vector<1000x1xf32>
    %get3A_128 = arith.constant 1 : index
    %get3A_129 = arith.constant 0 : index
    %get3A_130 = arith.constant 0 : index
    %get3A_131 = vector.load %arg5[%get3A_128, %get3A_129, %get3A_130] : memref<3x64x128xf32, #tpu.memory_space<vmem>>, vector<1x64x128xf32>
    %get3A_132 = vector.shape_cast %get3A_131 : vector<1x64x128xf32> to vector<64x128xf32>
    %dot_general3A_133 = arith.constant dense<0.000000e+00> : vector<1000x128xf32>
    %dot_general3A_134 = tpu.matmul %mul3A_46, %get3A_132, %dot_general3A_133 {dimension_numbers = #tpu.dot_dimension_numbers<[1], [0], [0], [1], [0, 0, 1, 1], [], []>, transpose_lhs_hint = false} : vector<1000x64xf32>, vector<64x128xf32>, vector<1000x128xf32> -> vector<1000x128xf32>
    %get3A_135 = arith.constant 1 : index
    %get3A_136 = arith.constant 0 : index
    %get3A_137 = arith.constant 0 : index
    %get3A_138 = vector.load %arg6[%get3A_135, %get3A_136, %get3A_137] : memref<3x64x128xf32, #tpu.memory_space<vmem>>, vector<1x64x128xf32>
    %get3A_139 = vector.shape_cast %get3A_138 : vector<1x64x128xf32> to vector<64x128xf32>
    %dot_general3A_140 = arith.constant dense<0.000000e+00> : vector<1000x128xf32>
    %dot_general3A_141 = tpu.matmul %mul3A_57, %get3A_139, %dot_general3A_140 {dimension_numbers = #tpu.dot_dimension_numbers<[1], [0], [0], [1], [0, 0, 1, 1], [], []>, transpose_lhs_hint = false} : vector<1000x64xf32>, vector<64x128xf32>, vector<1000x128xf32> -> vector<1000x128xf32>
    %add3A_142 = arith.addf %dot_general3A_134, %dot_general3A_141 : vector<1000x128xf32>
    %get3A_143 = arith.constant 1 : index
    %get3A_144 = arith.constant 0 : index
    %get3A_145 = vector.load %arg7[%get3A_143, %get3A_144] : memref<3x128xf32, #tpu.memory_space<vmem>>, vector<1x128xf32>
    %add3A_146 = vector.broadcast %get3A_145 : vector<1x128xf32> to vector<1000x128xf32>
    %add3A_147 = arith.addf %add3A_142, %add3A_146 : vector<1000x128xf32>
    %mul3A_148 = vector.broadcast %convert_element_type3A_127 : vector<1000x1xf32> to vector<1000x128xf32>
    %mul3A_149 = arith.mulf %mul3A_148, %add3A_147 : vector<1000x128xf32>
    %add3A_150 = arith.addf %add3A_104, %mul3A_149 : vector<1000x128xf32>
    %slice3A_151 = vector.extract_strided_slice %logistic3A_71 {offsets = [0, 1], sizes = [1, 1], strides = [1, 1]} : vector<1x3xf32> to vector<1x1xf32>
    %mul3A_152 = vector.broadcast %slice3A_151 : vector<1x1xf32> to vector<1000x1xf32>
    %mul3A_153 = arith.mulf %convert_element_type3A_127, %mul3A_152 : vector<1000x1xf32>
    %add3A_154 = arith.addf %add3A_108, %mul3A_153 : vector<1000x1xf32>
    %get3A_155 = arith.constant 1 : index
    %get3A_156 = arith.constant 0 : index
    %get3A_157 = vector.load %arg9[%get3A_155, %get3A_156] : memref<3x128xf32, #tpu.memory_space<vmem>>, vector<1x128xf32>
    %mul3A_158 = vector.broadcast %convert_element_type3A_127 : vector<1000x1xf32> to vector<1000x128xf32>
    %mul3A_159 = vector.broadcast %get3A_157 : vector<1x128xf32> to vector<1000x128xf32>
    %mul3A_160 = arith.mulf %mul3A_158, %mul3A_159 : vector<1000x128xf32>
    %add3A_161 = arith.addf %add3A_115, %mul3A_160 : vector<1000x128xf32>
    %get3A_162 = arith.constant 1 : index
    %get3A_163 = arith.constant 0 : index
    %get3A_164 = vector.load %arg10[%get3A_162, %get3A_163] : memref<3x128xf32, #tpu.memory_space<vmem>>, vector<1x128xf32>
    %mul3A_165 = vector.broadcast %convert_element_type3A_127 : vector<1000x1xf32> to vector<1000x128xf32>
    %mul3A_166 = vector.broadcast %get3A_164 : vector<1x128xf32> to vector<1000x128xf32>
    %mul3A_167 = arith.mulf %mul3A_165, %mul3A_166 : vector<1000x128xf32>
    %add3A_168 = arith.addf %add3A_122, %mul3A_167 : vector<1000x128xf32>
    %eq3A_169 = arith.constant 2 : i32
    %eq3A_170 = vector.broadcast %eq3A_169 : i32 to vector<1000x1xi32>
    %eq3A_171 = arith.cmpi eq, %get3A_63, %eq3A_170 : vector<1000x1xi32>
    %convert_element_type3A_172 = arith.extui %eq3A_171 : vector<1000x1xi1> to vector<1000x1xi32>
    %convert_element_type3A_173 = arith.sitofp %convert_element_type3A_172 : vector<1000x1xi32> to vector<1000x1xf32>
    %get3A_174 = arith.constant 2 : index
    %get3A_175 = arith.constant 0 : index
    %get3A_176 = arith.constant 0 : index
    %get3A_177 = vector.load %arg5[%get3A_174, %get3A_175, %get3A_176] : memref<3x64x128xf32, #tpu.memory_space<vmem>>, vector<1x64x128xf32>
    %get3A_178 = vector.shape_cast %get3A_177 : vector<1x64x128xf32> to vector<64x128xf32>
    %dot_general3A_179 = arith.constant dense<0.000000e+00> : vector<1000x128xf32>
    %dot_general3A_180 = tpu.matmul %mul3A_46, %get3A_178, %dot_general3A_179 {dimension_numbers = #tpu.dot_dimension_numbers<[1], [0], [0], [1], [0, 0, 1, 1], [], []>, transpose_lhs_hint = false} : vector<1000x64xf32>, vector<64x128xf32>, vector<1000x128xf32> -> vector<1000x128xf32>
    %get3A_181 = arith.constant 2 : index
    %get3A_182 = arith.constant 0 : index
    %get3A_183 = arith.constant 0 : index
    %get3A_184 = vector.load %arg6[%get3A_181, %get3A_182, %get3A_183] : memref<3x64x128xf32, #tpu.memory_space<vmem>>, vector<1x64x128xf32>
    %get3A_185 = vector.shape_cast %get3A_184 : vector<1x64x128xf32> to vector<64x128xf32>
    %dot_general3A_186 = arith.constant dense<0.000000e+00> : vector<1000x128xf32>
    %dot_general3A_187 = tpu.matmul %mul3A_57, %get3A_185, %dot_general3A_186 {dimension_numbers = #tpu.dot_dimension_numbers<[1], [0], [0], [1], [0, 0, 1, 1], [], []>, transpose_lhs_hint = false} : vector<1000x64xf32>, vector<64x128xf32>, vector<1000x128xf32> -> vector<1000x128xf32>
    %add3A_188 = arith.addf %dot_general3A_180, %dot_general3A_187 : vector<1000x128xf32>
    %get3A_189 = arith.constant 2 : index
    %get3A_190 = arith.constant 0 : index
    %get3A_191 = vector.load %arg7[%get3A_189, %get3A_190] : memref<3x128xf32, #tpu.memory_space<vmem>>, vector<1x128xf32>
    %add3A_192 = vector.broadcast %get3A_191 : vector<1x128xf32> to vector<1000x128xf32>
    %add3A_193 = arith.addf %add3A_188, %add3A_192 : vector<1000x128xf32>
    %mul3A_194 = vector.broadcast %convert_element_type3A_173 : vector<1000x1xf32> to vector<1000x128xf32>
    %mul3A_195 = arith.mulf %mul3A_194, %add3A_193 : vector<1000x128xf32>
    %add3A_196 = arith.addf %add3A_150, %mul3A_195 : vector<1000x128xf32>
    %slice3A_197 = vector.extract_strided_slice %logistic3A_71 {offsets = [0, 2], sizes = [1, 1], strides = [1, 1]} : vector<1x3xf32> to vector<1x1xf32>
    %mul3A_198 = vector.broadcast %slice3A_197 : vector<1x1xf32> to vector<1000x1xf32>
    %mul3A_199 = arith.mulf %convert_element_type3A_173, %mul3A_198 : vector<1000x1xf32>
    %add3A_200 = arith.addf %add3A_154, %mul3A_199 : vector<1000x1xf32>
    %get3A_201 = arith.constant 2 : index
    %get3A_202 = arith.constant 0 : index
    %get3A_203 = vector.load %arg9[%get3A_201, %get3A_202] : memref<3x128xf32, #tpu.memory_space<vmem>>, vector<1x128xf32>
    %mul3A_204 = vector.broadcast %convert_element_type3A_173 : vector<1000x1xf32> to vector<1000x128xf32>
    %mul3A_205 = vector.broadcast %get3A_203 : vector<1x128xf32> to vector<1000x128xf32>
    %mul3A_206 = arith.mulf %mul3A_204, %mul3A_205 : vector<1000x128xf32>
    %add3A_207 = arith.addf %add3A_161, %mul3A_206 : vector<1000x128xf32>
    %get3A_208 = arith.constant 2 : index
    %get3A_209 = arith.constant 0 : index
    %get3A_210 = vector.load %arg10[%get3A_208, %get3A_209] : memref<3x128xf32, #tpu.memory_space<vmem>>, vector<1x128xf32>
    %mul3A_211 = vector.broadcast %convert_element_type3A_173 : vector<1000x1xf32> to vector<1000x128xf32>
    %mul3A_212 = vector.broadcast %get3A_210 : vector<1x128xf32> to vector<1000x128xf32>
    %mul3A_213 = arith.mulf %mul3A_211, %mul3A_212 : vector<1000x128xf32>
    %add3A_214 = arith.addf %add3A_168, %mul3A_213 : vector<1000x128xf32>
    %mul3A_215 = vector.broadcast %add3A_200 : vector<1000x1xf32> to vector<1000x128xf32>
    %mul3A_216 = arith.mulf %add3A_196, %mul3A_215 : vector<1000x128xf32>
    %sub3A = arith.constant 1.000000e+00 : f32
    %sub3A_217 = vector.broadcast %sub3A : f32 to vector<1000x1xf32>
    %sub3A_218 = arith.subf %sub3A_217, %add3A_200 : vector<1000x1xf32>
    %mul3A_219 = vector.broadcast %sub3A_218 : vector<1000x1xf32> to vector<1000x128xf32>
    %mul3A_220 = arith.mulf %get3A_60, %mul3A_219 : vector<1000x128xf32>
    %add3A_221 = arith.addf %mul3A_216, %mul3A_220 : vector<1000x128xf32>
    %reduce_sum3A = arith.constant dense<0.000000e+00> : vector<1000xf32>
    %reduce_sum3A_222 = vector.multi_reduction <add>, %add3A_221, %reduce_sum3A [1] : vector<1000x128xf32> to vector<1000xf32>
    %broadcast_in_dim3A_223 = vector.shape_cast %reduce_sum3A_222 : vector<1000xf32> to vector<1000x1xf32>
    %div3A_224 = arith.constant 1.280000e+02 : f32
    %div3A_225 = vector.broadcast %div3A_224 : f32 to vector<1000x1xf32>
    %div3A_226 = arith.divf %broadcast_in_dim3A_223, %div3A_225 : vector<1000x1xf32>
    %sub3A_227 = vector.broadcast %div3A_226 : vector<1000x1xf32> to vector<1000x128xf32>
    %sub3A_228 = arith.subf %add3A_221, %sub3A_227 : vector<1000x128xf32>
    %mul3A_229 = arith.mulf %sub3A_228, %sub3A_228 : vector<1000x128xf32>
    %reduce_sum3A_230 = arith.constant dense<0.000000e+00> : vector<1000xf32>
    %reduce_sum3A_231 = vector.multi_reduction <add>, %mul3A_229, %reduce_sum3A_230 [1] : vector<1000x128xf32> to vector<1000xf32>
    %broadcast_in_dim3A_232 = vector.shape_cast %reduce_sum3A_231 : vector<1000xf32> to vector<1000x1xf32>
    %div3A_233 = arith.constant 1.280000e+02 : f32
    %div3A_234 = vector.broadcast %div3A_233 : f32 to vector<1000x1xf32>
    %div3A_235 = arith.divf %broadcast_in_dim3A_232, %div3A_234 : vector<1000x1xf32>
    %add3A_236 = arith.constant 9.99999974E-6 : f32
    %add3A_237 = vector.broadcast %add3A_236 : f32 to vector<1000x1xf32>
    %add3A_238 = arith.addf %div3A_235, %add3A_237 : vector<1000x1xf32>
    %rsqrt3A = math.rsqrt %add3A_238 : vector<1000x1xf32>
    %mul3A_239 = vector.broadcast %rsqrt3A : vector<1000x1xf32> to vector<1000x128xf32>
    %mul3A_240 = arith.mulf %sub3A_228, %mul3A_239 : vector<1000x128xf32>
    %mul3A_241 = arith.mulf %mul3A_240, %add3A_207 : vector<1000x128xf32>
    %add3A_242 = arith.addf %mul3A_241, %add3A_214 : vector<1000x128xf32>
    %swap3A = arith.constant 0 : index
    %swap3A_243 = arith.constant 0 : index
    %swap3A_244 = vector.load %arg13[%swap3A, %swap3A_243] : memref<1000x128xf32, #tpu.memory_space<vmem>>, vector<1000x128xf32>
    tpu.vector_store %arg13[%swap3A, %swap3A_243], %add3A_242 {strides = array<i32>} : memref<1000x128xf32, #tpu.memory_space<vmem>>, vector<1000x128xf32>,
    return
  }
  func.func @transform_0(%arg0: i32) -> (i32, i32, i32) {
    %c0_i32 = arith.constant 0 : i32
    %c0_i32_0 = arith.constant 0 : i32
    %c0_i32_1 = arith.constant 0 : i32
    return %c0_i32, %arg0, %c0_i32_0 : i32, i32, i32
  }
  func.func @transform_1(%arg0: i32) -> (i32, i32, i32) {
    %c0_i32 = arith.constant 0 : i32
    %c0_i32_0 = arith.constant 0 : i32
    %c0_i32_1 = arith.constant 0 : i32
    return %c0_i32, %arg0, %c0_i32_0 : i32, i32, i32
  }
  func.func @transform_2(%arg0: i32) -> (i32, i32) {
    %c0_i32 = arith.constant 0 : i32
    %c0_i32_0 = arith.constant 0 : i32
    return %arg0, %c0_i32 : i32, i32
  }
  func.func @transform_3(%arg0: i32) -> (i32, i32) {
    %c0_i32 = arith.constant 0 : i32
    %c0_i32_0 = arith.constant 0 : i32
    return %arg0, %c0_i32 : i32, i32
  }
  func.func @transform_4(%arg0: i32) -> (i32, i32, i32) {
    %c0_i32 = arith.constant 0 : i32
    %c0_i32_0 = arith.constant 0 : i32
    %c0_i32_1 = arith.constant 0 : i32
    %c0_i32_2 = arith.constant 0 : i32
    return %c0_i32, %c0_i32_0, %c0_i32_1 : i32, i32, i32
  }
  func.func @transform_5(%arg0: i32) -> (i32, i32, i32) {
    %c0_i32 = arith.constant 0 : i32
    %c0_i32_0 = arith.constant 0 : i32
    %c0_i32_1 = arith.constant 0 : i32
    %c0_i32_2 = arith.constant 0 : i32
    return %c0_i32, %c0_i32_0, %c0_i32_1 : i32, i32, i32
  }
  func.func @transform_6(%arg0: i32) -> (i32, i32) {
    %c0_i32 = arith.constant 0 : i32
    %c0_i32_0 = arith.constant 0 : i32
    %c0_i32_1 = arith.constant 0 : i32
    return %c0_i32, %c0_i32_0 : i32, i32
  }
  func.func @transform_7(%arg0: i32) -> (i32, i32) {
    %c0_i32 = arith.constant 0 : i32
    %c0_i32_0 = arith.constant 0 : i32
    %c0_i32_1 = arith.constant 0 : i32
    return %c0_i32, %c0_i32_0 : i32, i32
  }
  func.func @transform_8(%arg0: i32) -> (i32, i32) {
    %c0_i32 = arith.constant 0 : i32
    %c0_i32_0 = arith.constant 0 : i32
    %c0_i32_1 = arith.constant 0 : i32
    return %c0_i32, %c0_i32_0 : i32, i32
  }
  func.func @transform_9(%arg0: i32) -> (i32, i32) {
    %c0_i32 = arith.constant 0 : i32
    %c0_i32_0 = arith.constant 0 : i32
    %c0_i32_1 = arith.constant 0 : i32
    return %c0_i32, %c0_i32_0 : i32, i32
  }
  func.func @transform_10(%arg0: i32) -> (i32, i32) {
    %c0_i32 = arith.constant 0 : i32
    %c0_i32_0 = arith.constant 0 : i32
    %c0_i32_1 = arith.constant 0 : i32
    return %c0_i32, %c0_i32_0 : i32, i32
  }
  func.func @transform_11(%arg0: i32) -> (i32, i32) {
    %c0_i32 = arith.constant 0 : i32
    %c0_i32_0 = arith.constant 0 : i32
    %c0_i32_1 = arith.constant 0 : i32
    return %c0_i32, %c0_i32_0 : i32, i32
  }
  func.func @transform_12(%arg0: i32) -> (i32, i32) {
    %c0_i32 = arith.constant 0 : i32
    %c0_i32_0 = arith.constant 0 : i32
    return %arg0, %c0_i32 : i32, i32
  }
}

</mosaic_0001>

<sc_bundles>
// kernel: kernel.10.cloned.1.call-start
scs
__scs_entry_jumppad:
0x0: {  	(pc) =	sbr.rel $0x88, $3  }
0x1: {  	(tag) =	ssettag $0x0;
	lr =	simm.s32 $0x1  }
0x2: {  	[smem:$0x3F8F] =	sst lr;
	_ =	strace $0xD0000000  }
0x3: {  	_ = 	snop  }
0x4: {  	_ = 	snop  }
0x5: {  	_ = 	snop  }
0x6: {  	_ = 	snop  }
0x7: {  	_ = 	snop  }
__scs_overlays_trampoline_lowered:
0x8: {  	[smem:$0x3F9E] =	sst s0  }
0x9: {  	[smem:$0x3F9F] =	sst s1  }
0xa: {  	[smem:$0x3FA0] =	sst s2  }
0xb: {  	[smem:$0x3FA1] =	sst s3  }
0xc: {  	[smem:$0x3FA2] =	sst s4  }
0xd: {  	[smem:$0x3FA3] =	sst s5  }
0xe: {  	[smem:$0x3FA4] =	sst s6  }
0xf: {  	[smem:$0x3FA5] =	sst s7  }
0x10: {  	[smem:$0x3FA6] =	sst s8  }
0x11: {  	[smem:$0x3FA7] =	sst s9;
	s0 =	simm.s32 @!p0 $0x0  }
0x12: {  	s1 =	sld [smem:$0x3F8D];
	s0 =	simm.s32 @p0 $0x1  }
0x13: {  	[smem:$0x3FA8] =	sst s0;
	s0 =	simm.s32 @!p1 $0x0  }
0x14: {  	s2 =	sld [smem:$0x3F8C];
	s0 =	simm.s32 @p1 $0x1  }
0x15: {  	[smem:$0x3FA9] =	sst s0;
	s0 =	simm.s32 @!p2 $0x0  }
0x16: {  	s3 =	sld [smem:$0x3FDB];
	s0 =	simm.s32 @p2 $0x1  }
0x17: {  	s4 =	simm.s32 $0x1BF5;
	[smem:$0x3FAB] =	sst s0  }
0x18: {  	s0 =	sld [smem:$0x3F8E];
	_ =	swait.ge [sflag:s4], $0x0  }
0x19: {  	s7 =	sld [smem:$0x3F8F]  }
0x1a: {  	s8 =	sadd.s32 $0xFFFFE003, lr  }
0x1b: {  	s9 =	sadd.s32 $0xFFFFFEF7, lr;
	s5 =	simm.s32 $0xFFFFFFFF;
	p2 =	slt.u32 s8, $0xFFFFF086  }
0x1c: {  	p1 =	slt.u32 s9, $0xF7A;
	s5 =	simm.s32 @!p2 $0x0  }
0x1d: {  	s5 =	simm.s32 @p1 $0x1;
	p0 =	seq.s32 s7, s2  }
0x1e: {  	s7 =	smul.u32 @!p0 $0xF7A, s2;
	p2 =	seq.s32 @!p0 s5, $0x0  }
0x1f: {  	s9 =	smul.u32 $0xF7A, s1;
	s8 =	simm.s32 @!p0 $0x1BF5;
	p2 =	por !p2, p0  }
0x20: {  	[sflag:s8] =	ssyncset.s32 @!p0 $0xFFFFF086;
	s6 =	sadd.s32 @!p0 s3, s7;
	s7 =	simm.s32 @!p0 $0x108  }
0x21: {  	s3 =	sadd.s32 s3, s9;
	s6 =	sadd.s32 @!p0 $0x88, s6;
	s7 =	simm.s32 @p2 $0x1082  }
0x22: {  	[simem:s7], [sflag:s8] =	dma.local @!p0 [hbm:s6], $0xF7A  }
0x23: {  	s9 =	sor.u32 $0xD0000000, s2;
	s6 =	simm.s32 $0x108;
	_ =	swait.ge @!p0 [sflag:s8], $0x0  }
0x24: {  	s3 =	sadd.s32 $0x88, s3;
	s6 =	simm.s32 @!p1 $0x1082;
	[sflag:s4] =	ssyncset.s32 $0xFFFFF086  }
0x25: {  	[simem:s6], [sflag:s4] =	dma.local [hbm:s3], $0xF7A  }
0x26: {  	[smem:$0x3F8F] =	sst s1;
	(tag) =	ssettag s2;
	_ =	strace s9  }
0x27: {  	s1 =	sld [smem:$0x3F9F]  }
0x28: {  	s2 =	sld [smem:$0x3FA0]  }
0x29: {  	s4 =	sld [smem:$0x3FA2]  }
0x2a: {  	p0 =	seq.s32 s5, $0x0;
	s5 =	sld [smem:$0x3FA3]  }
0x2b: {  	s6 =	sld [smem:$0x3FA4]  }
0x2c: {  	s7 =	sld [smem:$0x3FA5]  }
0x2d: {  	s3 =	simm.s32 $0x108;
	s8 =	sld [smem:$0x3FA6]  }
0x2e: {  	s3 =	simm.s32 @!p0 $0x1082;
	s9 =	sld [smem:$0x3FA7]  }
0x2f: {  	lr =	sadd.s32 s0, s3;
	s0 =	sld [smem:$0x3F9E]  }
0x30: {  	s3 =	sld [smem:$0x3FA1]  }
0x31: {  	[smem:$0x3FAA] =	sst s10  }
0x32: {  	s10 =	sld [smem:$0x3FA8];
	_ =	sdelay $0x3  }
0x33: {  	p0 =	seq.s32 s10, $0x1;
	s10 =	sld [smem:$0x3FAA];
	_ =	sdelay $0x3  }
0x34: {  	[smem:$0x3FAA] =	sst s10  }
0x35: {  	s10 =	sld [smem:$0x3FA9];
	_ =	sdelay $0x3  }
0x36: {  	p1 =	seq.s32 s10, $0x1;
	s10 =	sld [smem:$0x3FAA];
	_ =	sdelay $0x3  }
0x37: {  	[smem:$0x3FAA] =	sst s10  }
0x38: {  	s10 =	sld [smem:$0x3FAB]  }
0x39: {  	_ = 	snop;
	(pc) =	sbr.ind lr, $3  }
0x3a: {  	_ = 	snop  }
0x3b: {  	_ = 	snop  }
0x3c: {  	p2 =	seq.s32 s10, $0x1;
	s10 =	sld [smem:$0x3FAA]  }
0x3d: {  	_ =	shalt  }
0x3e: {  	_ =	shalt  }
0x3f: {  	_ =	shalt  }
0x40: {  	_ =	shalt  }
0x41: {  	_ =	shalt  }
0x42: {  	_ =	shalt  }
0x43: {  	_ =	shalt  }
0x44: {  	_ =	shalt  }
0x45: {  	_ =	shalt  }
0x46: {  	_ =	shalt  }
0x47: {  	_ =	shalt  }
0x48: {  	_ =	shalt  }
0x49: {  	_ =	shalt  }
0x4a: {  	_ =	shalt  }
0x4b: {  	_ =	shalt  }
0x4c: {  	_ =	shalt  }
0x4d: {  	_ =	shalt  }
0x4e: {  	_ =	shalt  }
0x4f: {  	_ =	shalt  }
0x50: {  	_ =	shalt  }
0x51: {  	_ =	shalt  }
0x52: {  	_ =	shalt  }
0x53: {  	_ =	shalt  }
0x54: {  	_ =	shalt  }
0x55: {  	_ =	shalt  }
0x56: {  	_ =	shalt  }
0x57: {  	_ =	shalt  }
0x58: {  	_ =	shalt  }
0x59: {  	_ =	shalt  }
0x5a: {  	_ =	shalt  }
0x5b: {  	_ =	shalt  }
0x5c: {  	_ =	shalt  }
0x5d: {  	_ =	shalt  }
0x5e: {  	_ =	shalt  }
0x5f: {  	_ =	shalt  }
0x60: {  	_ =	shalt  }
0x61: {  	_ =	shalt  }
0x62: {  	_ =	shalt  }
0x63: {  	_ =	shalt  }
0x64: {  	_ =	shalt  }
0x65: {  	_ =	shalt  }
0x66: {  	_ =	shalt  }
0x67: {  	_ =	shalt  }
0x68: {  	_ =	shalt  }
0x69: {  	_ =	shalt  }
0x6a: {  	_ =	shalt  }
0x6b: {  	_ =	shalt  }
0x6c: {  	_ =	shalt  }
0x6d: {  	_ =	shalt  }
0x6e: {  	_ =	shalt  }
0x6f: {  	_ =	shalt  }
0x70: {  	_ =	shalt  }
0x71: {  	_ =	shalt  }
0x72: {  	_ =	shalt  }
0x73: {  	_ =	shalt  }
0x74: {  	_ =	shalt  }
0x75: {  	_ =	shalt  }
0x76: {  	_ =	shalt  }
0x77: {  	_ =	shalt  }
0x78: {  	_ =	shalt  }
0x79: {  	_ =	shalt  }
0x7a: {  	_ =	shalt  }
0x7b: {  	_ =	shalt  }
0x7c: {  	_ =	shalt  }
0x7d: {  	_ =	shalt  }
0x7e: {  	_ =	shalt  }
0x7f: {  	_ =	shalt  }
0x80: {  	_ =	shalt  }
0x81: {  	_ =	shalt  }
0x82: {  	_ =	shalt  }
0x83: {  	_ =	shalt  }
0x84: {  	_ =	shalt  }
0x85: {  	_ =	shalt  }
0x86: {  	_ =	shalt  }
0x87: {  	_ =	shalt  }
.Lfunc_end0:
.L_simem_size_0:
called_computation.1_lowered:
.L_overlay_start_0:
0x88: {  	s2 =	sld [smem:$0x3FD9]  }
0x89: {  	s3 =	sld [smem:$0x3FFE];
	_ =	sdelay $0x1  }
0x8a: {  	s1 =	srdreg.scid  }
0x8b: {  	s0 =	sand.u32 $0x1, s1  }
0x8c: {  	s16 =	sshll.u32 s0, $0xA;
	s2 =	sadd.s32 s3, s2  }
0x8d: {  	s2 =	sadd.s32 s2, s16  }
0x8e: {  	[smem:$0x3FB6] =	sst s2  }
0x8f: {  	_ = 	snop  }
0x90: {  	(tm) =	ssettm $0x1  }
0x91: {  	s17 =	sld [smem:$0x3FFB];
	_ =	sdelay $0x3  }
0x92: {  	_ =	strace s17  }
0x93: {  	s2 =	sld [smem:$0x3FFC];
	_ =	sdelay $0x3  }
0x94: {  	_ =	strace s2  }
0x95: {  	s2 =	sld [smem:$0x3FFD];
	_ =	sdelay $0x3  }
0x96: {  	_ =	strace s2  }
0x97: {  	_ =	strace $0x8FFFFFFF  }
0x98: {  	s18 =	sld [smem:$0x3FDB];
	_ =	sdelay $0x1  }
0x99: {  	s19 =	simm.s32 $_scs_section_size  }
0x9a: {  	s4 =	simm.s32 $_size__tile_overlayer_lowered;
	s5 =	simm.s32 $_tile_overlayer_lowered  }
0x9b: {  	s22 =	simm.s32 $0x1BFF;
	s21 =	sshll.u32 s5, $0x1;
	s2 =	sadd.s32 s19, s18  }
0x9c: {  	s6 =	simm.s32 $0x0;
	s20 =	sshll.u32 s4, $0x1;
	s4 =	sadd.s32 s21, s2  }
0x9d: {  	[timem:s6], [sflag:s22] =	dma.local [hbm:s4], s20  }
0x9e: {  	_ =	swait.ge [sflag:s22], s20  }
0x9f: {  	s3 =	ssub.s32 $0x0, s20;
	[sflag:s22] =	ssyncset.done $0x0  }
0xa0: {  	[sflag:s22] =	ssyncadd.s32 s3;
	_ =	sdelay $0x1  }
0xa1: {  	s23 =	simm.s32 $0x1B8B  }
0xa2: {  	_ =	swait.ge [sflag:s23], $0x1  }
0xa3: {  	[sflag:s23] =	ssyncset.done $0x0  }
0xa4: {  	s25 =	simm.s32 $0x1B8E;
	s24 =	sld [smem:$0x3FFE];
	[sflag:s23] =	ssyncadd.s32 $0xFFFFFFFF  }
0xa5: {  	s26 =	simm.s32 $execute0_lowered;
	[smem:$0x3FD2] =	sst s25  }
0xa6: {  	s4 =	sshll.u32 s26, $0x1;
	_ =	strace $0x80000049;
	[dreg:$0x1] =	wrdreg $0xFFFFFFFF  }
0xa7: {  	s28 =	simm.s32 $_size_execute0_lowered;
	s2 =	sadd.s32 s2, s4;
	[dreg:$0x0] =	wrdreg $0x0  }
0xa8: {  	s4 =	sshll.u32 s28, $0x1;
	[dreg:$0x2] =	wrdreg s2  }
0xa9: {  	[dreg:$0x3] =	wrdreg s4  }
0xaa: {  	[dreg:$0x4] =	wrdreg $0xC0  }
0xab: {  	_ =	task [dreg:s6], $0x5FFFF  }
0xac: {  	[dreg:$0x1] =	wrdreg $0xFFFFFFFF  }
0xad: {  	[dreg:$0x0] =	wrdreg $0x60  }
0xae: {  	[dreg:$0x2] =	wrdreg s24  }
0xaf: {  	[dreg:$0x3] =	wrdreg $0x71200  }
0xb0: {  	[dreg:$0x4] =	wrdreg $0x9  }
0xb1: {  	_ =	task.clear_ibuf [dreg:s6], $0x5FFFF;
	_ =	strace $0x90000049  }
0xb2: {  	s29 =	simm.s32 $0x9;
	_ =	strace $0x8000004B  }
0xb3: {  	_ =	swait.ge [sflag:s29], $0x1  }
0xb4: {  	[sflag:s29] =	ssyncadd.s32 $0xFFFFFFFF  }
0xb5: {  	_ =	strace $0x9000004B  }
0xb6: {  	_ =	sfence  }
0xb7: {  	s30 =	sld [smem:$0x0];
	_ =	sdelay $0x2  }
0xb8: {  	s31 =	sshll.u32 s1, $0xD;
	s1 =	sshrl.u32 s1, $0x2  }
0xb9: {  	s3 =	sand.u32 $0x4000, s31;
	s1 =	sadd.s32 s1, s30  }
0xba: {  	s0 =	sor.u32 s3, s0;
	s1 =	sshll.u32 s1, $0x11  }
0xbb: {  	s0 =	sor.u32 s1, s0  }
0xbc: {  	s0 =	sadd.s32 $0x8F2B, s0  }
0xbd: {  	[sflag:s0] =	ssyncadd.remote.s32 $0x1  }
0xbe: {  	_ =	sfence.sel $0xFFFF  }
0xbf: {  	[dreg:$0x0] =	wrdreg $0xFFFFFFFF;
	(pc) =	sbr.abs _section_cstart, $3  }
0xc0: {  	[dreg:$0x1] =	wrdreg $0xFFFFFFFF  }
0xc1: {  	_ =	task.clear_ibuf [dreg:s6], $0x2FFFF;
	_ =	strace $0x9FFFFFFF  }
0xc2: {  	(tm) =	ssettm $0x7FFFFFFF  }
0xc3: {  	_ =	shalt  }
tec
execute0_lowered:
.L_overlay_start_1:
0x0: {  	(tag) =	ssettag $0x1  }
0x1: {  	s0 =	rddreg [dreg:$0x0]  }
0x2: {  	s1 =	rddreg [dreg:$0x1];
	s2 =	simm.s32 $0x0;
	s4 =	srdreg.scid  }
0x3: {  	s5 =	stileid.u32;
	s29 =	simm.s32 $0x32A0;
	s30 =	simm.s32 $0x0  }
0x4: {  	[smem:$0x7FF] =	sst s2;
	s3 =	sadd.s32 $0x2C400, s0;
	s21 =	smul.u32 $0x4E200, s5  }
0x5: {  	s6 =	sand.u32 $0x1, s4;
	s19 =	sshll.u32 s5, $0x1;
	s18 =	smul.u32 $0x30D40, s5  }
0x6: {  	s14 =	sadd.s32 $0x106CE00, s0;
	s16 =	sadd.s32 $0x36200, s0;
	s26 =	smul.u32 $0x4E20, s5  }
0x7: {  	p0 =	sgt.u32 s5, $0x9;
	p1 =	sne.s32 s5, $0x0;
	s17 =	smul.u32 $0x186A0, s6  }
0x8: {  	s4 =	sor.u32 s6, s19;
	s7 =	ssub.s32 $0x2, s6;
	s6 =	smul.u32 $0x2710, s6  }
0x9: {  	_ =	strace $0x8000004A;
	s19 =	simm.s32 $0xA0;
	s8 =	smul.u32 $0x2710, s4  }
0xa: {  	s9 =	sshrl.u32 s7, $0x1;
	s10 =	smul.u32 $0x186A0, s4;
	s25 =	sshrl.u32 s21, $0x2  }
0xb: {  	s15 =	sadd.s32 s18, s14;
	s18 =	sadd.s32 s18, s16;
	s21 =	simm.s32 $0x19A0  }
0xc: {  	s0 =	sadd.s32 s17, s0;
	s11 =	ssub.s32 s7, s9;
	s9 =	sadd.s32 s25, s1  }
0xd: {  	s15 =	sadd.s32 s17, s15;
	s31 =	sadd.s32 s17, s18;
	s25 =	simm.s32 $0x2  }
0xe: {  	s20 =	sshrl.u32 s8, $0x3;
	s22 =	sadd.s32 s14, s10;
	s23 =	sadd.s32 $0x374400, s0  }
0xf: {  	s24 =	sadd.s32 s16, s10;
	s0 =	sadd.s32 $0x343600, s0;
	s10 =	smax.u32 s11, $0x1  }
0x10: {  	s11 =	sadd.s32 $0x3E80, s9;
	s12 =	sadd.s32 $0x7D00, s9;
	[dreg:$0x3] =	wrdreg s22  }
0x11: {  	s13 =	sadd.s32 $0xBB80, s9;
	s14 =	sadd.s32 $0xFA00, s9;
	[dreg:$0x4] =	wrdreg s23  }
0x12: {  	s15 =	sadd.s32 $0x640, s15;
	s18 =	sadd.s32 $0x640, s31;
	[dreg:$0x5] =	wrdreg s24  }
0x13: {  	s4 =	sadd.s32 s3, s20;
	[dreg:$0x6] =	wrdreg s0;
	s0 =	sadd.s32 s6, s26  }
0x14: {  	s20 =	simm.s32 $0x50;
	s22 =	simm.s32 $0x1;
	s6 =	sadd.s32 $0x50, s0  }
0x15: {  	s23 =	simm.s32 $0x3;
	s24 =	simm.s32 $0x5;
	s28 =	sshrl.u32 s6, $0x3  }
0x16: {  	v0 =	vimm.f32 $0.0e+00;
	s26 =	simm.s32 $0x4;
	s16 =	sadd.s32 $0xA0, s0;
	s17 =	sadd.s32 s28, s3  }
.LBB2_1:
0x17: {  	s6 =	simm.s32 $0x140;
	s0 =	simm.s32 $0x0  }
.LBB2_2:
0x18: {  	p2 =	sne.s32 s6, $0xF8C0;
	[tilespmem:s0+$0x32E0] =	vst v0;
	s5 =	smov.u32 s6;
	s6 =	sadd.s32 $0x140, s6  }
.Ltmp0:
0x19: {  	[tilespmem:s0+$0x32D0] =	vst v0;
	(pc) =	sbr.rel @p2 .LBB2_2-.Ltmp0, $4  }
0x1a: {  	[tilespmem:s0+$0x32C0] =	vst v0  }
0x1b: {  	[tilespmem:s0+$0x32A0] =	vst v0  }
0x1c: {  	[tilespmem:s0+$0x32B0] =	vst v0  }
0x1d: {  	s0 =	sshra.s32 s5, $0x2  }
0x1e: {  	[tilespmem:s0+$0x32E0] =	vst v0  }
0x1f: {  	[tilespmem:s0+$0x32D0] =	vst v0  }
0x20: {  	[tilespmem:s0+$0x32C0] =	vst v0  }
0x21: {  	[tilespmem:s0+$0x32A0] =	vst v0  }
0x22: {  	[tilespmem:s0+$0x32B0] =	vst v0;
	s0 =	simm.s32 @!p0 $0x32A0;
	s5 =	simm.s32 @!p0 $0x5  }
0x23: {  	[spmem:s9] =	stream.linear.scatter @!p0 [tilespmem:s0], [sflag:$0x5], $0x3E80, $0x38;
	[tilespmem:$0x13470] =	vst v63  }
0x24: {  	_ =	swait.ge @!p0 [sflag:s5], $0x3E80  }
0x25: {  	[sflag:s5] =	ssyncset.done @!p0 $0x0  }
0x26: {  	[sflag:s5] =	ssyncadd.s32 @!p0 $0xFFFFC180  }
0x27: {  	[spmem:s11] =	stream.linear.scatter @!p0 [tilespmem:s0], [sflag:$0x5], $0x3E80, $0x38;
	[tilespmem:$0x13470] =	vst v63  }
0x28: {  	_ =	swait.ge @!p0 [sflag:s5], $0x3E80  }
0x29: {  	[sflag:s5] =	ssyncset.done @!p0 $0x0  }
0x2a: {  	[sflag:s5] =	ssyncadd.s32 @!p0 $0xFFFFC180  }
0x2b: {  	[spmem:s12] =	stream.linear.scatter @!p0 [tilespmem:s0], [sflag:$0x5], $0x3E80, $0x38;
	[tilespmem:$0x13470] =	vst v63  }
0x2c: {  	_ =	swait.ge @!p0 [sflag:s5], $0x3E80  }
0x2d: {  	[sflag:s5] =	ssyncset.done @!p0 $0x0  }
0x2e: {  	[sflag:s5] =	ssyncadd.s32 @!p0 $0xFFFFC180  }
0x2f: {  	[spmem:s13] =	stream.linear.scatter @!p0 [tilespmem:s0], [sflag:$0x5], $0x3E80, $0x38;
	[tilespmem:$0x13470] =	vst v63  }
0x30: {  	_ =	swait.ge @!p0 [sflag:s5], $0x3E80  }
0x31: {  	[sflag:s5] =	ssyncset.done @!p0 $0x0  }
0x32: {  	[sflag:s5] =	ssyncadd.s32 @!p0 $0xFFFFC180  }
0x33: {  	[spmem:s14] =	stream.linear.scatter @!p0 [tilespmem:s0], [sflag:$0x5], $0x3E80, $0x38;
	[tilespmem:$0x13470] =	vst v63  }
0x34: {  	_ =	swait.ge @!p0 [sflag:s5], $0x3E80  }
0x35: {  	[sflag:s5] =	ssyncset.done @!p0 $0x0  }
0x36: {  	[sflag:s5] =	ssyncadd.s32 @!p0 $0xFFFFC180  }
0x37: {  	s7 =	simm.s32 $0x0;
	[bflag:$0x0] =	sbarrier.arrive $0xFFFF  }
0x38: {  	[tilespmem:s7], [sflag:$0x1] =	stream.linear.gather [hbm4b:s4+s7], $0x50, $0x38;
	[tilespmem:$0x13470] =	vst v63  }
0x39: {  	s8 =	rddreg [dreg:$0x3]  }
0x3a: {  	[tilespmem:s19], [sflag:$0x3] =	stream.linear.gather [hbm4b:s8+s7], $0x1900, $0x38;
	[tilespmem:$0x13470] =	vst v63  }
0x3b: {  	s6 =	sadd.s32 $0x0, s17  }
0x3c: {  	[tilespmem:s20], [sflag:$0x2] =	stream.linear.gather [hbm4b:s6+s2], $0x50, $0x38;
	[tilespmem:$0x13470] =	vst v63  }
0x3d: {  	s7 =	sadd.s32 $0xFFFFFCE0, s15  }
0x3e: {  	[tilespmem:s21], [sflag:$0x4] =	stream.linear.gather [hbm4b:s7+s2], $0x1900, $0x38;
	[tilespmem:$0x13470] =	vst v63  }
0x3f: {  	_ =	swait.ge [sflag:s22], $0x50  }
0x40: {  	[sflag:s22] =	ssyncset.done $0x0  }
0x41: {  	[sflag:s22] =	ssyncadd.s32 $0xFFFFFFB0  }
0x42: {  	_ =	swait.ge [sflag:s23], $0x1900  }
0x43: {  	[sflag:s23] =	ssyncset.done $0x0  }
0x44: {  	[sflag:s23] =	ssyncadd.s32 $0xFFFFE700  }
0x45: {  	[spmem:s1] =	stream.indirect.scatter.add.f32 [tilespmem:s19], [sflag:$0x5], $0x50, s2, s20, $0xb8;
	[tilespmem:$0x13470] =	vst v63  }
0x46: {  	_ =	swait.ge [sflag:s24], $0x1900  }
0x47: {  	s8 =	sshrl.u32 s16, $0x3;
	[sflag:s24] =	ssyncset.done $0x0  }
0x48: {  	s31 =	sadd.s32 s3, s8;
	[sflag:s24] =	ssyncadd.s32 $0xFFFFE700  }
0x49: {  	[tilespmem:s2], [sflag:$0x1] =	stream.linear.gather [hbm4b:s31+s2], $0x50, $0x38;
	[tilespmem:$0x13470] =	vst v63  }
0x4a: {  	_ = 	snop  }
0x4b: {  	[tilespmem:s19], [sflag:$0x3] =	stream.linear.gather [hbm4b:s15+s2], $0x1900, $0x38;
	[tilespmem:$0x13470] =	vst v63  }
0x4c: {  	_ =	swait.ge [sflag:s25], $0x50  }
0x4d: {  	[sflag:s25] =	ssyncset.done $0x0  }
0x4e: {  	[sflag:s25] =	ssyncadd.s32 $0xFFFFFFB0  }
0x4f: {  	_ =	swait.ge [sflag:s26], $0x1900  }
0x50: {  	[sflag:s26] =	ssyncset.done $0x0  }
0x51: {  	[sflag:s26] =	ssyncadd.s32 $0xFFFFE700  }
0x52: {  	[spmem:s1] =	stream.indirect.scatter.add.f32 [tilespmem:s21], [sflag:$0x5], $0x50, s20, s20, $0xb8;
	[tilespmem:$0x13470] =	vst v63  }
0x53: {  	s28 =	sadd.s32 $0xA0, s16;
	s0 =	sadd.s32 $0x640, s15;
	_ =	swait.ge [sflag:s24], $0x1900  }
0x54: {  	s5 =	simm.s32 $0x28;
	s6 =	simm.s32 $0x14;
	[sflag:s24] =	ssyncset.done $0x0  }
.LBB2_4:
0x55: {  	s7 =	sadd.s32 s6, s17  }
0x56: {  	[sflag:s24] =	ssyncadd.s32 $0xFFFFE700;
	s6 =	smov.u32 s5;
	s8 =	sadd.s32 $0x14, s5  }
0x57: {  	[tilespmem:s20], [sflag:$0x2] =	stream.linear.gather [hbm4b:s7+s2], $0x50, $0x38;
	[tilespmem:$0x13470] =	vst v63  }
0x58: {  	p2 =	sne.s32 s5, $0x4C4;
	s5 =	sadd.s32 $0xFFFFFCE0, s0  }
0x59: {  	[tilespmem:s21], [sflag:$0x4] =	stream.linear.gather [hbm4b:s5+s2], $0x1900, $0x38;
	[tilespmem:$0x13470] =	vst v63  }
0x5a: {  	_ =	swait.ge [sflag:s22], $0x50  }
0x5b: {  	[sflag:s22] =	ssyncset.done $0x0  }
0x5c: {  	[sflag:s22] =	ssyncadd.s32 $0xFFFFFFB0  }
0x5d: {  	_ =	swait.ge [sflag:s23], $0x1900  }
0x5e: {  	[sflag:s23] =	ssyncset.done $0x0  }
0x5f: {  	[sflag:s23] =	ssyncadd.s32 $0xFFFFE700  }
0x60: {  	[spmem:s1] =	stream.indirect.scatter.add.f32 [tilespmem:s19], [sflag:$0x5], $0x50, s2, s20, $0xb8;
	[tilespmem:$0x13470] =	vst v63  }
0x61: {  	_ =	swait.ge [sflag:s24], $0x1900  }
0x62: {  	s5 =	sshrl.u32 s28, $0x3;
	[sflag:s24] =	ssyncset.done $0x0  }
0x63: {  	s5 =	sadd.s32 s3, s5;
	[sflag:s24] =	ssyncadd.s32 $0xFFFFE700  }
0x64: {  	[tilespmem:s2], [sflag:$0x1] =	stream.linear.gather [hbm4b:s5+s2], $0x50, $0x38;
	[tilespmem:$0x13470] =	vst v63  }
0x65: {  	_ = 	snop  }
0x66: {  	[tilespmem:s19], [sflag:$0x3] =	stream.linear.gather [hbm4b:s0+s2], $0x1900, $0x38;
	[tilespmem:$0x13470] =	vst v63  }
0x67: {  	_ =	swait.ge [sflag:s25], $0x50  }
0x68: {  	[sflag:s25] =	ssyncset.done $0x0  }
0x69: {  	[sflag:s25] =	ssyncadd.s32 $0xFFFFFFB0  }
0x6a: {  	_ =	swait.ge [sflag:s26], $0x1900  }
.Ltmp1:
0x6b: {  	[sflag:s26] =	ssyncset.done $0x0;
	(pc) =	sbr.rel @p2 .LBB2_4-.Ltmp1, $4  }
0x6c: {  	[sflag:s26] =	ssyncadd.s32 $0xFFFFE700  }
0x6d: {  	[spmem:s1] =	stream.indirect.scatter.add.f32 [tilespmem:s21], [sflag:$0x5], $0x50, s20, s20, $0xb8;
	[tilespmem:$0x13470] =	vst v63  }
0x6e: {  	s28 =	sadd.s32 $0xA0, s28;
	_ =	swait.ge [sflag:s24], $0x1900  }
0x6f: {  	s5 =	smov.u32 s8;
	s0 =	sadd.s32 $0x640, s0;
	[sflag:s24] =	ssyncset.done $0x0  }
0x70: {  	s5 =	sadd.s32 s6, s17;
	[sflag:s24] =	ssyncadd.s32 $0xFFFFE700  }
0x71: {  	[tilespmem:s20], [sflag:$0x2] =	stream.linear.gather [hbm4b:s5+s2], $0x50, $0x38;
	[tilespmem:$0x13470] =	vst v63  }
0x72: {  	s8 =	sadd.s32 $0xFFFFFCE0, s0  }
0x73: {  	[tilespmem:s21], [sflag:$0x4] =	stream.linear.gather [hbm4b:s8+s2], $0x1900, $0x38;
	[tilespmem:$0x13470] =	vst v63  }
0x74: {  	_ =	swait.ge [sflag:s22], $0x50  }
0x75: {  	[sflag:s22] =	ssyncset.done $0x0  }
0x76: {  	[sflag:s22] =	ssyncadd.s32 $0xFFFFFFB0  }
0x77: {  	_ =	swait.ge [sflag:s23], $0x1900  }
0x78: {  	[sflag:s23] =	ssyncset.done $0x0  }
0x79: {  	[sflag:s23] =	ssyncadd.s32 $0xFFFFE700  }
0x7a: {  	[spmem:s1] =	stream.indirect.scatter.add.f32 [tilespmem:s19], [sflag:$0x5], $0x50, s2, s20, $0xb8;
	[tilespmem:$0x13470] =	vst v63  }
0x7b: {  	_ =	swait.ge [sflag:s24], $0x1900  }
0x7c: {  	s28 =	sshrl.u32 s28, $0x3;
	[sflag:s24] =	ssyncset.done $0x0  }
0x7d: {  	s5 =	sadd.s32 s3, s28;
	[sflag:s24] =	ssyncadd.s32 $0xFFFFE700  }
0x7e: {  	[tilespmem:s2], [sflag:$0x1] =	stream.linear.gather [hbm4b:s5+s2], $0x50, $0x38;
	[tilespmem:$0x13470] =	vst v63  }
0x7f: {  	_ = 	snop  }
0x80: {  	[tilespmem:s19], [sflag:$0x3] =	stream.linear.gather [hbm4b:s0+s2], $0x1900, $0x38;
	[tilespmem:$0x13470] =	vst v63  }
0x81: {  	_ =	swait.ge [sflag:s25], $0x50  }
0x82: {  	[sflag:s25] =	ssyncset.done $0x0  }
0x83: {  	[sflag:s25] =	ssyncadd.s32 $0xFFFFFFB0  }
0x84: {  	_ =	swait.ge [sflag:s26], $0x1900  }
0x85: {  	[sflag:s26] =	ssyncset.done $0x0  }
0x86: {  	[sflag:s26] =	ssyncadd.s32 $0xFFFFE700  }
0x87: {  	[spmem:s1] =	stream.indirect.scatter.add.f32 [tilespmem:s21], [sflag:$0x5], $0x50, s20, s20, $0xb8;
	[tilespmem:$0x13470] =	vst v63  }
0x88: {  	_ =	swait.ge [sflag:s24], $0x1900  }
0x89: {  	[sflag:s24] =	ssyncset.done $0x0  }
0x8a: {  	[sflag:s24] =	ssyncadd.s32 $0xFFFFE700  }
0x8b: {  	_ =	swait.ge [sflag:s22], $0x50  }
0x8c: {  	[sflag:s22] =	ssyncset.done $0x0  }
0x8d: {  	[sflag:s22] =	ssyncadd.s32 $0xFFFFFFB0  }
0x8e: {  	_ =	swait.ge [sflag:s23], $0x1900  }
0x8f: {  	[sflag:s23] =	ssyncset.done $0x0  }
0x90: {  	[sflag:s23] =	ssyncadd.s32 $0xFFFFE700  }
0x91: {  	[spmem:s1] =	stream.indirect.scatter.add.f32 [tilespmem:s19], [sflag:$0x5], $0x50, s2, s20, $0xb8;
	[tilespmem:$0x13470] =	vst v63  }
.Ltmp2:
0x92: {  	_ =	swait.ge [sflag:s24], $0x1900;
	(pc) =	sbr.rel @!p1 .LBB2_6-.Ltmp2, $3  }
0x93: {  	[sflag:s24] =	ssyncset.done $0x0  }
0x94: {  	[sflag:s24] =	ssyncadd.s32 $0xFFFFE700  }
0x95: {  	[bflag:$0x0] =	sbarrier.arrive $0xFFFF;
	_ =	sdelay $0x1  }
.Ltmp3:
0x96: {  	(pc) =	sbr.rel @p0 .LBB2_9-.Ltmp3, $4  }
.Ltmp4:
0x97: {  	(pc) =	sbr.rel @!p0 .LBB2_8-.Ltmp4, $4  }
0x98: {  	_ = 	snop  }
0x99: {  	[bflag:$0x0] =	sbarrier.arrive $0xFFFF  }
0x9a: {  	_ = 	snop  }
0x9b: {  	_ = 	snop  }
.LBB2_6:
0x9c: {  	s0 =	sshrl.u32 s1, $0x3;
	s5 =	rddreg [dreg:$0x4];
	s6 =	simm.s32 $0x1C05  }
0x9d: {  	[hbm:s5], [sflag:s6] =	dma.local [spmem:s0], $0x186A0  }
0x9e: {  	_ =	swait.ge [sflag:s24], $0x186A0  }
0x9f: {  	[sflag:s24] =	ssyncset.done $0x0  }
0xa0: {  	[sflag:s24] =	ssyncadd.s32 $0xFFFE7960  }
0xa1: {  	[bflag:$0x0] =	sbarrier.arrive $0xFFFF  }
.LBB2_8:
0xa2: {  	[spmem:s9] =	stream.linear.scatter [tilespmem:s29], [sflag:$0x5], $0x3E80, $0x38;
	[tilespmem:$0x13470] =	vst v63  }
0xa3: {  	_ =	swait.ge [sflag:s24], $0x3E80  }
0xa4: {  	[sflag:s24] =	ssyncset.done $0x0  }
0xa5: {  	[sflag:s24] =	ssyncadd.s32 $0xFFFFC180  }
0xa6: {  	[spmem:s11] =	stream.linear.scatter [tilespmem:s29], [sflag:$0x5], $0x3E80, $0x38;
	[tilespmem:$0x13470] =	vst v63  }
0xa7: {  	_ =	swait.ge [sflag:s24], $0x3E80  }
0xa8: {  	[sflag:s24] =	ssyncset.done $0x0  }
0xa9: {  	[sflag:s24] =	ssyncadd.s32 $0xFFFFC180  }
0xaa: {  	[spmem:s12] =	stream.linear.scatter [tilespmem:s29], [sflag:$0x5], $0x3E80, $0x38;
	[tilespmem:$0x13470] =	vst v63  }
0xab: {  	_ =	swait.ge [sflag:s24], $0x3E80  }
0xac: {  	[sflag:s24] =	ssyncset.done $0x0  }
0xad: {  	[sflag:s24] =	ssyncadd.s32 $0xFFFFC180  }
0xae: {  	[spmem:s13] =	stream.linear.scatter [tilespmem:s29], [sflag:$0x5], $0x3E80, $0x38;
	[tilespmem:$0x13470] =	vst v63  }
0xaf: {  	_ =	swait.ge [sflag:s24], $0x3E80  }
0xb0: {  	[sflag:s24] =	ssyncset.done $0x0  }
0xb1: {  	[sflag:s24] =	ssyncadd.s32 $0xFFFFC180  }
0xb2: {  	[spmem:s14] =	stream.linear.scatter [tilespmem:s29], [sflag:$0x5], $0x3E80, $0x38;
	[tilespmem:$0x13470] =	vst v63  }
0xb3: {  	_ =	swait.ge [sflag:s24], $0x3E80  }
0xb4: {  	[sflag:s24] =	ssyncset.done $0x0  }
0xb5: {  	[sflag:s24] =	ssyncadd.s32 $0xFFFFC180  }
.LBB2_9:
0xb6: {  	[bflag:$0x0] =	sbarrier.arrive $0xFFFF;
	s0 =	simm.s32 $0x0  }
0xb7: {  	[tilespmem:s0], [sflag:$0x1] =	stream.linear.gather [hbm4b:s4+s0], $0x50, $0x38;
	[tilespmem:$0x13470] =	vst v63  }
0xb8: {  	s5 =	rddreg [dreg:$0x5]  }
0xb9: {  	[tilespmem:s19], [sflag:$0x3] =	stream.linear.gather [hbm4b:s5+s0], $0x1900, $0x38;
	[tilespmem:$0x13470] =	vst v63  }
0xba: {  	s7 =	sadd.s32 $0x0, s17  }
0xbb: {  	[tilespmem:s20], [sflag:$0x2] =	stream.linear.gather [hbm4b:s7+s2], $0x50, $0x38;
	[tilespmem:$0x13470] =	vst v63  }
0xbc: {  	s8 =	sadd.s32 $0xFFFFFCE0, s18  }
0xbd: {  	[tilespmem:s21], [sflag:$0x4] =	stream.linear.gather [hbm4b:s8+s2], $0x1900, $0x38;
	[tilespmem:$0x13470] =	vst v63  }
0xbe: {  	_ =	swait.ge [sflag:s22], $0x50  }
0xbf: {  	[sflag:s22] =	ssyncset.done $0x0  }
0xc0: {  	[sflag:s22] =	ssyncadd.s32 $0xFFFFFFB0  }
0xc1: {  	_ =	swait.ge [sflag:s23], $0x1900  }
0xc2: {  	[sflag:s23] =	ssyncset.done $0x0  }
0xc3: {  	[sflag:s23] =	ssyncadd.s32 $0xFFFFE700  }
0xc4: {  	[spmem:s1] =	stream.indirect.scatter.add.f32 [tilespmem:s19], [sflag:$0x5], $0x50, s2, s20, $0xb8;
	[tilespmem:$0x13470] =	vst v63  }
0xc5: {  	_ =	swait.ge [sflag:s24], $0x1900  }
0xc6: {  	[sflag:s24] =	ssyncset.done $0x0  }
0xc7: {  	[sflag:s24] =	ssyncadd.s32 $0xFFFFE700  }
0xc8: {  	[tilespmem:s2], [sflag:$0x1] =	stream.linear.gather [hbm4b:s31+s2], $0x50, $0x38;
	[tilespmem:$0x13470] =	vst v63  }
0xc9: {  	_ = 	snop  }
0xca: {  	[tilespmem:s19], [sflag:$0x3] =	stream.linear.gather [hbm4b:s18+s2], $0x1900, $0x38;
	[tilespmem:$0x13470] =	vst v63  }
0xcb: {  	_ =	swait.ge [sflag:s25], $0x50  }
0xcc: {  	[sflag:s25] =	ssyncset.done $0x0  }
0xcd: {  	[sflag:s25] =	ssyncadd.s32 $0xFFFFFFB0  }
0xce: {  	_ =	swait.ge [sflag:s26], $0x1900  }
0xcf: {  	[sflag:s26] =	ssyncset.done $0x0  }
0xd0: {  	[sflag:s26] =	ssyncadd.s32 $0xFFFFE700  }
0xd1: {  	[spmem:s1] =	stream.indirect.scatter.add.f32 [tilespmem:s21], [sflag:$0x5], $0x50, s20, s20, $0xb8;
	[tilespmem:$0x13470] =	vst v63  }
0xd2: {  	s6 =	simm.s32 $0x14;
	s28 =	sadd.s32 $0xA0, s16;
	_ =	swait.ge [sflag:s24], $0x1900  }
0xd3: {  	s5 =	simm.s32 $0x28;
	s0 =	sadd.s32 $0x640, s18;
	[sflag:s24] =	ssyncset.done $0x0  }
.LBB2_10:
0xd4: {  	s7 =	sadd.s32 s6, s17  }
0xd5: {  	[sflag:s24] =	ssyncadd.s32 $0xFFFFE700;
	s6 =	smov.u32 s5;
	s8 =	sadd.s32 $0x14, s5  }
0xd6: {  	[tilespmem:s20], [sflag:$0x2] =	stream.linear.gather [hbm4b:s7+s2], $0x50, $0x38;
	[tilespmem:$0x13470] =	vst v63  }
0xd7: {  	p2 =	sne.s32 s5, $0x4C4;
	s5 =	sadd.s32 $0xFFFFFCE0, s0  }
0xd8: {  	[tilespmem:s21], [sflag:$0x4] =	stream.linear.gather [hbm4b:s5+s2], $0x1900, $0x38;
	[tilespmem:$0x13470] =	vst v63  }
0xd9: {  	_ =	swait.ge [sflag:s22], $0x50  }
0xda: {  	[sflag:s22] =	ssyncset.done $0x0  }
0xdb: {  	[sflag:s22] =	ssyncadd.s32 $0xFFFFFFB0  }
0xdc: {  	_ =	swait.ge [sflag:s23], $0x1900  }
0xdd: {  	[sflag:s23] =	ssyncset.done $0x0  }
0xde: {  	[sflag:s23] =	ssyncadd.s32 $0xFFFFE700  }
0xdf: {  	[spmem:s1] =	stream.indirect.scatter.add.f32 [tilespmem:s19], [sflag:$0x5], $0x50, s2, s20, $0xb8;
	[tilespmem:$0x13470] =	vst v63  }
0xe0: {  	_ =	swait.ge [sflag:s24], $0x1900  }
0xe1: {  	s5 =	sshrl.u32 s28, $0x3;
	[sflag:s24] =	ssyncset.done $0x0  }
0xe2: {  	s5 =	sadd.s32 s3, s5;
	[sflag:s24] =	ssyncadd.s32 $0xFFFFE700  }
0xe3: {  	[tilespmem:s2], [sflag:$0x1] =	stream.linear.gather [hbm4b:s5+s2], $0x50, $0x38;
	[tilespmem:$0x13470] =	vst v63  }
0xe4: {  	_ = 	snop  }
0xe5: {  	[tilespmem:s19], [sflag:$0x3] =	stream.linear.gather [hbm4b:s0+s2], $0x1900, $0x38;
	[tilespmem:$0x13470] =	vst v63  }
0xe6: {  	_ =	swait.ge [sflag:s25], $0x50  }
0xe7: {  	[sflag:s25] =	ssyncset.done $0x0  }
0xe8: {  	[sflag:s25] =	ssyncadd.s32 $0xFFFFFFB0  }
0xe9: {  	_ =	swait.ge [sflag:s26], $0x1900  }
.Ltmp5:
0xea: {  	[sflag:s26] =	ssyncset.done $0x0;
	(pc) =	sbr.rel @p2 .LBB2_10-.Ltmp5, $4  }
0xeb: {  	[sflag:s26] =	ssyncadd.s32 $0xFFFFE700  }
0xec: {  	[spmem:s1] =	stream.indirect.scatter.add.f32 [tilespmem:s21], [sflag:$0x5], $0x50, s20, s20, $0xb8;
	[tilespmem:$0x13470] =	vst v63  }
0xed: {  	s28 =	sadd.s32 $0xA0, s28;
	_ =	swait.ge [sflag:s24], $0x1900  }
0xee: {  	s5 =	smov.u32 s8;
	s0 =	sadd.s32 $0x640, s0;
	[sflag:s24] =	ssyncset.done $0x0  }
0xef: {  	s5 =	sadd.s32 s6, s17;
	[sflag:s24] =	ssyncadd.s32 $0xFFFFE700  }
0xf0: {  	[tilespmem:s20], [sflag:$0x2] =	stream.linear.gather [hbm4b:s5+s2], $0x50, $0x38;
	[tilespmem:$0x13470] =	vst v63  }
0xf1: {  	s8 =	sadd.s32 $0xFFFFFCE0, s0  }
0xf2: {  	[tilespmem:s21], [sflag:$0x4] =	stream.linear.gather [hbm4b:s8+s2], $0x1900, $0x38;
	[tilespmem:$0x13470] =	vst v63  }
0xf3: {  	_ =	swait.ge [sflag:s22], $0x50  }
0xf4: {  	[sflag:s22] =	ssyncset.done $0x0  }
0xf5: {  	[sflag:s22] =	ssyncadd.s32 $0xFFFFFFB0  }
0xf6: {  	_ =	swait.ge [sflag:s23], $0x1900  }
0xf7: {  	[sflag:s23] =	ssyncset.done $0x0  }
0xf8: {  	[sflag:s23] =	ssyncadd.s32 $0xFFFFE700  }
0xf9: {  	[spmem:s1] =	stream.indirect.scatter.add.f32 [tilespmem:s19], [sflag:$0x5], $0x50, s2, s20, $0xb8;
	[tilespmem:$0x13470] =	vst v63  }
0xfa: {  	_ =	swait.ge [sflag:s24], $0x1900  }
0xfb: {  	s31 =	sshrl.u32 s28, $0x3;
	[sflag:s24] =	ssyncset.done $0x0  }
0xfc: {  	s5 =	sadd.s32 s3, s31;
	[sflag:s24] =	ssyncadd.s32 $0xFFFFE700  }
0xfd: {  	[tilespmem:s2], [sflag:$0x1] =	stream.linear.gather [hbm4b:s5+s2], $0x50, $0x38;
	[tilespmem:$0x13470] =	vst v63  }
0xfe: {  	_ = 	snop  }
0xff: {  	[tilespmem:s19], [sflag:$0x3] =	stream.linear.gather [hbm4b:s0+s2], $0x1900, $0x38;
	[tilespmem:$0x13470] =	vst v63  }
0x100: {  	_ =	swait.ge [sflag:s25], $0x50  }
0x101: {  	[sflag:s25] =	ssyncset.done $0x0  }
0x102: {  	[sflag:s25] =	ssyncadd.s32 $0xFFFFFFB0  }
0x103: {  	_ =	swait.ge [sflag:s26], $0x1900  }
0x104: {  	[sflag:s26] =	ssyncset.done $0x0  }
0x105: {  	[sflag:s26] =	ssyncadd.s32 $0xFFFFE700  }
0x106: {  	[spmem:s1] =	stream.indirect.scatter.add.f32 [tilespmem:s21], [sflag:$0x5], $0x50, s20, s20, $0xb8;
	[tilespmem:$0x13470] =	vst v63  }
0x107: {  	_ =	swait.ge [sflag:s24], $0x1900  }
0x108: {  	[sflag:s24] =	ssyncset.done $0x0  }
0x109: {  	[sflag:s24] =	ssyncadd.s32 $0xFFFFE700  }
0x10a: {  	_ =	swait.ge [sflag:s22], $0x50  }
0x10b: {  	[sflag:s22] =	ssyncset.done $0x0  }
0x10c: {  	[sflag:s22] =	ssyncadd.s32 $0xFFFFFFB0  }
0x10d: {  	_ =	swait.ge [sflag:s23], $0x1900  }
0x10e: {  	[sflag:s23] =	ssyncset.done $0x0  }
0x10f: {  	[sflag:s23] =	ssyncadd.s32 $0xFFFFE700  }
0x110: {  	[spmem:s1] =	stream.indirect.scatter.add.f32 [tilespmem:s19], [sflag:$0x5], $0x50, s2, s20, $0xb8;
	[tilespmem:$0x13470] =	vst v63  }
0x111: {  	_ =	swait.ge [sflag:s24], $0x1900  }
0x112: {  	[sflag:s24] =	ssyncset.done $0x0  }
0x113: {  	[sflag:s24] =	ssyncadd.s32 $0xFFFFE700  }
0x114: {  	s30 =	sadd.s32 $0x1, s30;
	[bflag:$0x0] =	sbarrier.arrive $0xFFFF  }
0x115: {  	s5 =	simm.s32 @!p1 $0x1C05;
	s0 =	sshrl.u32 @!p1 s1, $0x3;
	s6 =	rddreg [dreg:$0x6]  }
0x116: {  	[hbm:s6], [sflag:s5] =	dma.local @!p1 [spmem:s0], $0x186A0  }
0x117: {  	p2 =	sne.s32 s30, s10;
	s0 =	simm.s32 @!p1 $0x5  }
.Ltmp6:
0x118: {  	_ =	swait.ge @!p1 [sflag:s0], $0x186A0;
	(pc) =	sbr.rel @p2 .LBB2_1-.Ltmp6, $3  }
0x119: {  	[sflag:s0] =	ssyncset.done @!p1 $0x0  }
0x11a: {  	[sflag:s0] =	ssyncadd.s32 @!p1 $0xFFFE7960  }
0x11b: {  	[bflag:$0x0] =	sbarrier.arrive $0xFFFF;
	_ =	sdelay $0x1  }
0x11c: {  	_ =	sfence.sel $0x180000  }
0x11d: {  	[bflag:$0x0] =	sbarrier.arrive $0xFFFF  }
0x11e: {  	_ =	strace $0x9000004A  }
0x11f: {  	[bflag:$0x2] =	sbarrier.arrive $0xFFFF  }
0x120: {  	s0 =	rddreg [dreg:$0x2]  }
0x121: {  	s0 =	sadd.s32 @!p1 $0x100000, s0  }
0x122: {  	[sflag:s0] =	ssyncadd.tile.s32 @!p1 $0x1;
	_ =	shalt  }
.Lfunc_end2:
_tile_overlayer_lowered:
.L_overlay_start_2:
0x123: {  	(tag) =	ssettag $0x2  }
0x124: {  	s0 =	rddreg [dreg:$0x0];
	s2 =	stileid.u32  }
0x125: {  	s1 =	rddreg [dreg:$0x1];
	p0 =	sne.s32 s2, $0x0  }
0x126: {  	s3 =	rddreg [dreg:$0x2];
	[bflag:$0x3] =	sbarrier.arrive $0xFFFF;
	s2 =	simm.s32 @!p0 $0x1C05  }
0x127: {  	[timem:s3], [sflag:s2] =	dma.local @!p0 [hbm:s0], s1  }
0x128: {  	s0 =	simm.s32 @!p0 $0x5  }
0x129: {  	_ =	swait.ge @!p0 [sflag:s0], s1  }
0x12a: {  	s1 =	ssub.s32 @!p0 $0x0, s1;
	[sflag:s0] =	ssyncset.done @!p0 $0x0  }
0x12b: {  	[sflag:s0] =	ssyncadd.s32 @!p0 s1  }
0x12c: {  	[bflag:$0x3] =	sbarrier.arrive $0xFFFF  }
0x12d: {  	_ =	shalt  }

// kernel: kernel.7.cloned.1.call-start
scs
__scs_entry_jumppad:
0x0: {  	(pc) =	sbr.rel $0x88, $3  }
0x1: {  	(tag) =	ssettag $0x0;
	lr =	simm.s32 $0x1  }
0x2: {  	[smem:$0x3F8F] =	sst lr;
	_ =	strace $0xD0000000  }
0x3: {  	_ = 	snop  }
0x4: {  	_ = 	snop  }
0x5: {  	_ = 	snop  }
0x6: {  	_ = 	snop  }
0x7: {  	_ = 	snop  }
__scs_overlays_trampoline_lowered:
0x8: {  	[smem:$0x3F9E] =	sst s0  }
0x9: {  	[smem:$0x3F9F] =	sst s1  }
0xa: {  	[smem:$0x3FA0] =	sst s2  }
0xb: {  	[smem:$0x3FA1] =	sst s3  }
0xc: {  	[smem:$0x3FA2] =	sst s4  }
0xd: {  	[smem:$0x3FA3] =	sst s5  }
0xe: {  	[smem:$0x3FA4] =	sst s6  }
0xf: {  	[smem:$0x3FA5] =	sst s7  }
0x10: {  	[smem:$0x3FA6] =	sst s8  }
0x11: {  	[smem:$0x3FA7] =	sst s9;
	s0 =	simm.s32 @!p0 $0x0  }
0x12: {  	s1 =	sld [smem:$0x3F8D];
	s0 =	simm.s32 @p0 $0x1  }
0x13: {  	[smem:$0x3FA8] =	sst s0;
	s0 =	simm.s32 @!p1 $0x0  }
0x14: {  	s2 =	sld [smem:$0x3F8C];
	s0 =	simm.s32 @p1 $0x1  }
0x15: {  	[smem:$0x3FA9] =	sst s0;
	s0 =	simm.s32 @!p2 $0x0  }
0x16: {  	s3 =	sld [smem:$0x3FDB];
	s0 =	simm.s32 @p2 $0x1  }
0x17: {  	s4 =	simm.s32 $0x1BF5;
	[smem:$0x3FAB] =	sst s0  }
0x18: {  	s0 =	sld [smem:$0x3F8E];
	_ =	swait.ge [sflag:s4], $0x0  }
0x19: {  	s7 =	sld [smem:$0x3F8F]  }
0x1a: {  	s8 =	sadd.s32 $0xFFFFE003, lr  }
0x1b: {  	s9 =	sadd.s32 $0xFFFFFEF7, lr;
	s5 =	simm.s32 $0xFFFFFFFF;
	p2 =	slt.u32 s8, $0xFFFFF086  }
0x1c: {  	p1 =	slt.u32 s9, $0xF7A;
	s5 =	simm.s32 @!p2 $0x0  }
0x1d: {  	s5 =	simm.s32 @p1 $0x1;
	p0 =	seq.s32 s7, s2  }
0x1e: {  	s7 =	smul.u32 @!p0 $0xF7A, s2;
	p2 =	seq.s32 @!p0 s5, $0x0  }
0x1f: {  	s9 =	smul.u32 $0xF7A, s1;
	s8 =	simm.s32 @!p0 $0x1BF5;
	p2 =	por !p2, p0  }
0x20: {  	[sflag:s8] =	ssyncset.s32 @!p0 $0xFFFFF086;
	s6 =	sadd.s32 @!p0 s3, s7;
	s7 =	simm.s32 @!p0 $0x108  }
0x21: {  	s3 =	sadd.s32 s3, s9;
	s6 =	sadd.s32 @!p0 $0x88, s6;
	s7 =	simm.s32 @p2 $0x1082  }
0x22: {  	[simem:s7], [sflag:s8] =	dma.local @!p0 [hbm:s6], $0xF7A  }
0x23: {  	s9 =	sor.u32 $0xD0000000, s2;
	s6 =	simm.s32 $0x108;
	_ =	swait.ge @!p0 [sflag:s8], $0x0  }
0x24: {  	s3 =	sadd.s32 $0x88, s3;
	s6 =	simm.s32 @!p1 $0x1082;
	[sflag:s4] =	ssyncset.s32 $0xFFFFF086  }
0x25: {  	[simem:s6], [sflag:s4] =	dma.local [hbm:s3], $0xF7A  }
0x26: {  	[smem:$0x3F8F] =	sst s1;
	(tag) =	ssettag s2;
	_ =	strace s9  }
0x27: {  	s1 =	sld [smem:$0x3F9F]  }
0x28: {  	s2 =	sld [smem:$0x3FA0]  }
0x29: {  	s4 =	sld [smem:$0x3FA2]  }
0x2a: {  	p0 =	seq.s32 s5, $0x0;
	s5 =	sld [smem:$0x3FA3]  }
0x2b: {  	s6 =	sld [smem:$0x3FA4]  }
0x2c: {  	s7 =	sld [smem:$0x3FA5]  }
0x2d: {  	s3 =	simm.s32 $0x108;
	s8 =	sld [smem:$0x3FA6]  }
0x2e: {  	s3 =	simm.s32 @!p0 $0x1082;
	s9 =	sld [smem:$0x3FA7]  }
0x2f: {  	lr =	sadd.s32 s0, s3;
	s0 =	sld [smem:$0x3F9E]  }
0x30: {  	s3 =	sld [smem:$0x3FA1]  }
0x31: {  	[smem:$0x3FAA] =	sst s10  }
0x32: {  	s10 =	sld [smem:$0x3FA8];
	_ =	sdelay $0x3  }
0x33: {  	p0 =	seq.s32 s10, $0x1;
	s10 =	sld [smem:$0x3FAA];
	_ =	sdelay $0x3  }
0x34: {  	[smem:$0x3FAA] =	sst s10  }
0x35: {  	s10 =	sld [smem:$0x3FA9];
	_ =	sdelay $0x3  }
0x36: {  	p1 =	seq.s32 s10, $0x1;
	s10 =	sld [smem:$0x3FAA];
	_ =	sdelay $0x3  }
0x37: {  	[smem:$0x3FAA] =	sst s10  }
0x38: {  	s10 =	sld [smem:$0x3FAB]  }
0x39: {  	_ = 	snop;
	(pc) =	sbr.ind lr, $3  }
0x3a: {  	_ = 	snop  }
0x3b: {  	_ = 	snop  }
0x3c: {  	p2 =	seq.s32 s10, $0x1;
	s10 =	sld [smem:$0x3FAA]  }
0x3d: {  	_ =	shalt  }
0x3e: {  	_ =	shalt  }
0x3f: {  	_ =	shalt  }
0x40: {  	_ =	shalt  }
0x41: {  	_ =	shalt  }
0x42: {  	_ =	shalt  }
0x43: {  	_ =	shalt  }
0x44: {  	_ =	shalt  }
0x45: {  	_ =	shalt  }
0x46: {  	_ =	shalt  }
0x47: {  	_ =	shalt  }
0x48: {  	_ =	shalt  }
0x49: {  	_ =	shalt  }
0x4a: {  	_ =	shalt  }
0x4b: {  	_ =	shalt  }
0x4c: {  	_ =	shalt  }
0x4d: {  	_ =	shalt  }
0x4e: {  	_ =	shalt  }
0x4f: {  	_ =	shalt  }
0x50: {  	_ =	shalt  }
0x51: {  	_ =	shalt  }
0x52: {  	_ =	shalt  }
0x53: {  	_ =	shalt  }
0x54: {  	_ =	shalt  }
0x55: {  	_ =	shalt  }
0x56: {  	_ =	shalt  }
0x57: {  	_ =	shalt  }
0x58: {  	_ =	shalt  }
0x59: {  	_ =	shalt  }
0x5a: {  	_ =	shalt  }
0x5b: {  	_ =	shalt  }
0x5c: {  	_ =	shalt  }
0x5d: {  	_ =	shalt  }
0x5e: {  	_ =	shalt  }
0x5f: {  	_ =	shalt  }
0x60: {  	_ =	shalt  }
0x61: {  	_ =	shalt  }
0x62: {  	_ =	shalt  }
0x63: {  	_ =	shalt  }
0x64: {  	_ =	shalt  }
0x65: {  	_ =	shalt  }
0x66: {  	_ =	shalt  }
0x67: {  	_ =	shalt  }
0x68: {  	_ =	shalt  }
0x69: {  	_ =	shalt  }
0x6a: {  	_ =	shalt  }
0x6b: {  	_ =	shalt  }
0x6c: {  	_ =	shalt  }
0x6d: {  	_ =	shalt  }
0x6e: {  	_ =	shalt  }
0x6f: {  	_ =	shalt  }
0x70: {  	_ =	shalt  }
0x71: {  	_ =	shalt  }
0x72: {  	_ =	shalt  }
0x73: {  	_ =	shalt  }
0x74: {  	_ =	shalt  }
0x75: {  	_ =	shalt  }
0x76: {  	_ =	shalt  }
0x77: {  	_ =	shalt  }
0x78: {  	_ =	shalt  }
0x79: {  	_ =	shalt  }
0x7a: {  	_ =	shalt  }
0x7b: {  	_ =	shalt  }
0x7c: {  	_ =	shalt  }
0x7d: {  	_ =	shalt  }
0x7e: {  	_ =	shalt  }
0x7f: {  	_ =	shalt  }
0x80: {  	_ =	shalt  }
0x81: {  	_ =	shalt  }
0x82: {  	_ =	shalt  }
0x83: {  	_ =	shalt  }
0x84: {  	_ =	shalt  }
0x85: {  	_ =	shalt  }
0x86: {  	_ =	shalt  }
0x87: {  	_ =	shalt  }
.Lfunc_end0:
.L_simem_size_0:
called_computation_lowered:
.L_overlay_start_0:
0x88: {  	s2 =	sld [smem:$0x3FD9]  }
0x89: {  	s3 =	sld [smem:$0x3FFE];
	_ =	sdelay $0x1  }
0x8a: {  	s1 =	srdreg.scid  }
0x8b: {  	s0 =	sand.u32 $0x1, s1  }
0x8c: {  	s17 =	sshll.u32 s0, $0xA;
	s2 =	sadd.s32 s3, s2  }
0x8d: {  	s2 =	sadd.s32 s2, s17  }
0x8e: {  	[smem:$0x3FB6] =	sst s2  }
0x8f: {  	_ = 	snop  }
0x90: {  	s2 =	sld [smem:$0x3FD0];
	(tm) =	ssettm $0x1  }
0x91: {  	s18 =	sld [smem:$0x3FFB];
	_ =	sdelay $0x3  }
0x92: {  	_ =	strace s18  }
0x93: {  	s3 =	sld [smem:$0x3FFC];
	_ =	sdelay $0x3  }
0x94: {  	_ =	strace s3  }
0x95: {  	s3 =	sld [smem:$0x3FFD];
	_ =	sdelay $0x3  }
0x96: {  	_ =	strace s3  }
0x97: {  	_ =	strace $0x8FFFFFFF  }
0x98: {  	s19 =	sld [smem:$0x3FDB];
	_ =	sdelay $0x1  }
0x99: {  	s4 =	simm.s32 $_scs_section_size  }
0x9a: {  	s5 =	simm.s32 $_size__tile_overlayer_lowered;
	s6 =	simm.s32 $_tile_overlayer_lowered  }
0x9b: {  	s22 =	simm.s32 $0x1BFF;
	s21 =	sshll.u32 s6, $0x1;
	s3 =	sadd.s32 s4, s19  }
0x9c: {  	s7 =	simm.s32 $0x0;
	s20 =	sshll.u32 s5, $0x1;
	s5 =	sadd.s32 s21, s3  }
0x9d: {  	[timem:s7], [sflag:s22] =	dma.local [hbm:s5], s20  }
0x9e: {  	_ =	swait.ge [sflag:s22], s20  }
0x9f: {  	s4 =	ssub.s32 $0x0, s20;
	[sflag:s22] =	ssyncset.done $0x0  }
0xa0: {  	[sflag:s22] =	ssyncadd.s32 s4;
	_ =	sdelay $0x1  }
0xa1: {  	s23 =	simm.s32 $0x1B8B  }
0xa2: {  	_ =	swait.ge [sflag:s23], $0x1  }
0xa3: {  	[sflag:s23] =	ssyncset.done $0x0  }
0xa4: {  	s25 =	simm.s32 $0x1B8E;
	s24 =	sld [smem:$0x3FFE];
	[sflag:s23] =	ssyncadd.s32 $0xFFFFFFFF  }
0xa5: {  	s26 =	simm.s32 $execute0_lowered;
	[smem:$0x3FD2] =	sst s25  }
0xa6: {  	s5 =	sshll.u32 s26, $0x1;
	_ =	strace $0x80000046;
	[dreg:$0x1] =	wrdreg $0xFFFFFFFF  }
0xa7: {  	s28 =	simm.s32 $_size_execute0_lowered;
	s3 =	sadd.s32 s3, s5;
	[dreg:$0x0] =	wrdreg $0x0  }
0xa8: {  	s5 =	sshll.u32 s28, $0x1;
	[dreg:$0x2] =	wrdreg s3  }
0xa9: {  	[dreg:$0x3] =	wrdreg s5  }
0xaa: {  	[dreg:$0x4] =	wrdreg $0xC0  }
0xab: {  	_ =	task [dreg:s7], $0x5FFFF  }
0xac: {  	[dreg:$0x1] =	wrdreg $0xFFFFFFFF  }
0xad: {  	[dreg:$0x0] =	wrdreg $0x60  }
0xae: {  	[dreg:$0x2] =	wrdreg s24  }
0xaf: {  	[dreg:$0x3] =	wrdreg s2  }
0xb0: {  	[dreg:$0x4] =	wrdreg $0x9  }
0xb1: {  	_ =	task.clear_ibuf [dreg:s7], $0x5FFFF;
	_ =	strace $0x90000046  }
0xb2: {  	s29 =	simm.s32 $0x9;
	_ =	strace $0x80000048  }
0xb3: {  	_ =	swait.ge [sflag:s29], $0x1  }
0xb4: {  	[sflag:s29] =	ssyncadd.s32 $0xFFFFFFFF  }
0xb5: {  	_ =	strace $0x90000048  }
0xb6: {  	_ =	sfence  }
0xb7: {  	s30 =	sld [smem:$0x0];
	_ =	sdelay $0x2  }
0xb8: {  	s31 =	sshll.u32 s1, $0xD;
	s1 =	sshrl.u32 s1, $0x2  }
0xb9: {  	s3 =	sand.u32 $0x4000, s31;
	s1 =	sadd.s32 s1, s30  }
0xba: {  	s0 =	sor.u32 s3, s0;
	s1 =	sshll.u32 s1, $0x11  }
0xbb: {  	s0 =	sor.u32 s1, s0  }
0xbc: {  	s0 =	sadd.s32 $0x8F2B, s0  }
0xbd: {  	[sflag:s0] =	ssyncadd.remote.s32 $0x1  }
0xbe: {  	_ =	sfence.sel $0xFFFF  }
0xbf: {  	[dreg:$0x0] =	wrdreg $0xFFFFFFFF;
	(pc) =	sbr.abs _section_cstart, $3  }
0xc0: {  	[dreg:$0x1] =	wrdreg $0xFFFFFFFF  }
0xc1: {  	_ =	task.clear_ibuf [dreg:s7], $0x2FFFF;
	_ =	strace $0x9FFFFFFF  }
0xc2: {  	(tm) =	ssettm $0x7FFFFFFF  }
0xc3: {  	_ =	shalt  }
tec
execute0_lowered:
.L_overlay_start_1:
0x0: {  	(tag) =	ssettag $0x1  }
0x1: {  	s1 =	srdreg.scid;
	s5 =	rddreg [dreg:$0x0]  }
0x2: {  	s0 =	stileid.u32;
	s2 =	rddreg [dreg:$0x1];
	s3 =	simm.s32 $0x0  }
0x3: {  	s12 =	simm.s32 $0x4;
	s13 =	simm.s32 $0x50;
	s14 =	simm.s32 $0xA0  }
0x4: {  	s15 =	simm.s32 $0x28A0;
	s16 =	simm.s32 $0x50A0;
	s17 =	simm.s32 $0x1  }
0x5: {  	s18 =	simm.s32 $0x2;
	s19 =	simm.s32 $0x3;
	s6 =	smul.u32 $0x4E20, s0  }
0x6: {  	s4 =	sand.u32 $0x1, s1;
	s1 =	rddreg [dreg:$0x2];
	s29 =	smul.u32 $0x4E200, s0  }
0x7: {  	s20 =	simm.s32 $0x0;
	[smem:$0x7FF] =	sst s3;
	s7 =	smul.u32 $0x2710, s4  }
0x8: {  	_ =	strace $0x80000047;
	s30 =	ssub.s32 $0x2, s4;
	s8 =	smul.u32 $0x27100, s4  }
0x9: {  	s4 =	sadd.s32 $0x40000, s5;
	s6 =	sadd.s32 s7, s6;
	s7 =	sadd.s32 s29, s5  }
0xa: {  	s9 =	sshrl.u32 s30, $0x1;
	s6 =	sshrl.u32 s6, $0x3;
	s31 =	sadd.s32 s8, s7  }
0xb: {  	s11 =	sadd.s32 s6, s5;
	s5 =	sadd.s32 $0x103600, s5;
	s7 =	sadd.s32 $0xB8AC00, s31  }
0xc: {  	s6 =	ssub.s32 s30, s9;
	s8 =	sadd.s32 $0x6A8C00, s31;
	s9 =	sadd.s32 $0x1C6C00, s31  }
0xd: {  	s6 =	smax.u32 s6, $0x1;
	s10 =	sadd.s32 $0x36200, s11;
	s11 =	sadd.s32 $0x2C400, s11  }
.LBB2_1:
0xe: {  	[tilespmem:s3], [sflag:$0x4] =	stream.linear.gather [hbm4b:s11+s3], $0x50, $0x38;
	[tilespmem:$0x78A0] =	vst v63  }
0xf: {  	_ =	swait.ge [sflag:s12], $0x50  }
0x10: {  	[sflag:s12] =	ssyncset.done $0x0  }
0x11: {  	[sflag:s12] =	ssyncadd.s32 $0xFFFFFFB0  }
0x12: {  	[tilespmem:s13], [sflag:$0x4] =	stream.linear.gather [hbm4b:s10+s3], $0x50, $0x38;
	[tilespmem:$0x78A0] =	vst v63  }
0x13: {  	_ =	swait.ge [sflag:s12], $0x50  }
0x14: {  	[sflag:s12] =	ssyncset.done $0x0  }
0x15: {  	[sflag:s12] =	ssyncadd.s32 $0xFFFFFFB0  }
0x16: {  	[tilespmem:s14], [sflag:$0x1] =	stream.indirect.gather [hbm4b:s2+s13], $0x80, s3, s13, $0xb8;
	[tilespmem:$0x78A0] =	vst v63  }
0x17: {  	_ = 	snop  }
0x18: {  	[tilespmem:s15], [sflag:$0x2] =	stream.indirect.gather [hbm4b:s4+s13], $0x80, s13, s13, $0xb8;
	[tilespmem:$0x78A0] =	vst v63  }
0x19: {  	_ = 	snop  }
0x1a: {  	[tilespmem:s16], [sflag:$0x3] =	stream.indirect.gather [hbm4b:s5+s13], $0x80, s13, s13, $0xb8;
	[tilespmem:$0x78A0] =	vst v63  }
0x1b: {  	_ =	swait.ge [sflag:s17], $0x2800  }
0x1c: {  	[sflag:s17] =	ssyncset.done $0x0  }
0x1d: {  	[sflag:s17] =	ssyncadd.s32 $0xFFFFD800  }
0x1e: {  	_ =	swait.ge [sflag:s18], $0x2800  }
0x1f: {  	[sflag:s18] =	ssyncset.done $0x0  }
0x20: {  	[sflag:s18] =	ssyncadd.s32 $0xFFFFD800  }
0x21: {  	_ =	swait.ge [sflag:s19], $0x2800  }
0x22: {  	[sflag:s19] =	ssyncset.done $0x0  }
0x23: {  	s21 =	sadd.s32 $0x0, s9;
	[sflag:s19] =	ssyncadd.s32 $0xFFFFD800  }
0x24: {  	[hbm4b:s21+s3] =	stream.linear.scatter [tilespmem:s14], [sflag:$0x4], $0x2800, $0x38;
	[tilespmem:$0x78A0] =	vst v63  }
0x25: {  	_ =	swait.ge [sflag:s12], $0x2800  }
0x26: {  	[sflag:s12] =	ssyncset.done $0x0  }
0x27: {  	s30 =	sadd.s32 $0x0, s8;
	[sflag:s12] =	ssyncadd.s32 $0xFFFFD800  }
0x28: {  	[hbm4b:s30+s3] =	stream.linear.scatter [tilespmem:s15], [sflag:$0x4], $0x2800, $0x38;
	[tilespmem:$0x78A0] =	vst v63  }
0x29: {  	_ =	swait.ge [sflag:s12], $0x2800  }
0x2a: {  	[sflag:s12] =	ssyncset.done $0x0  }
0x2b: {  	s31 =	sadd.s32 $0x0, s7;
	[sflag:s12] =	ssyncadd.s32 $0xFFFFD800  }
0x2c: {  	[hbm4b:s31+s3] =	stream.linear.scatter [tilespmem:s16], [sflag:$0x4], $0x2800, $0x38;
	[tilespmem:$0x78A0] =	vst v63  }
0x2d: {  	s22 =	smov.u32 s10;
	_ =	swait.ge [sflag:s12], $0x2800  }
0x2e: {  	s23 =	smov.u32 s11;
	s21 =	simm.s32 $0x500;
	[sflag:s12] =	ssyncset.done $0x0  }
.LBB2_2:
0x2f: {  	[sflag:s12] =	ssyncadd.s32 $0xFFFFD800  }
0x30: {  	s22 =	sadd.s32 $0xA, s22;
	s23 =	sadd.s32 $0xA, s23;
	s24 =	smov.u32 s21  }
0x31: {  	[tilespmem:s3], [sflag:$0x4] =	stream.linear.gather [hbm4b:s23+s3], $0x50, $0x38;
	[tilespmem:$0x78A0] =	vst v63  }
0x32: {  	p0 =	sne.s32 s21, $0x26C00;
	s21 =	sadd.s32 $0x500, s21;
	_ =	swait.ge [sflag:s12], $0x50  }
0x33: {  	[sflag:s12] =	ssyncset.done $0x0  }
0x34: {  	[sflag:s12] =	ssyncadd.s32 $0xFFFFFFB0  }
0x35: {  	[tilespmem:s13], [sflag:$0x4] =	stream.linear.gather [hbm4b:s22+s3], $0x50, $0x38;
	[tilespmem:$0x78A0] =	vst v63  }
0x36: {  	_ =	swait.ge [sflag:s12], $0x50  }
0x37: {  	[sflag:s12] =	ssyncset.done $0x0  }
0x38: {  	[sflag:s12] =	ssyncadd.s32 $0xFFFFFFB0  }
0x39: {  	[tilespmem:s14], [sflag:$0x1] =	stream.indirect.gather [hbm4b:s2+s13], $0x80, s3, s13, $0xb8;
	[tilespmem:$0x78A0] =	vst v63  }
0x3a: {  	_ = 	snop  }
0x3b: {  	[tilespmem:s15], [sflag:$0x2] =	stream.indirect.gather [hbm4b:s4+s13], $0x80, s13, s13, $0xb8;
	[tilespmem:$0x78A0] =	vst v63  }
0x3c: {  	_ = 	snop  }
0x3d: {  	[tilespmem:s16], [sflag:$0x3] =	stream.indirect.gather [hbm4b:s5+s13], $0x80, s13, s13, $0xb8;
	[tilespmem:$0x78A0] =	vst v63  }
0x3e: {  	_ =	swait.ge [sflag:s17], $0x2800  }
0x3f: {  	[sflag:s17] =	ssyncset.done $0x0  }
0x40: {  	[sflag:s17] =	ssyncadd.s32 $0xFFFFD800  }
0x41: {  	_ =	swait.ge [sflag:s18], $0x2800  }
0x42: {  	[sflag:s18] =	ssyncset.done $0x0  }
0x43: {  	[sflag:s18] =	ssyncadd.s32 $0xFFFFD800  }
0x44: {  	_ =	swait.ge [sflag:s19], $0x2800  }
0x45: {  	[sflag:s19] =	ssyncset.done $0x0  }
0x46: {  	s25 =	sadd.s32 s24, s9;
	[sflag:s19] =	ssyncadd.s32 $0xFFFFD800  }
0x47: {  	[hbm4b:s25+s3] =	stream.linear.scatter [tilespmem:s14], [sflag:$0x4], $0x2800, $0x38;
	[tilespmem:$0x78A0] =	vst v63  }
0x48: {  	_ =	swait.ge [sflag:s12], $0x2800  }
0x49: {  	[sflag:s12] =	ssyncset.done $0x0  }
0x4a: {  	s25 =	sadd.s32 s24, s8;
	[sflag:s12] =	ssyncadd.s32 $0xFFFFD800  }
0x4b: {  	[hbm4b:s25+s3] =	stream.linear.scatter [tilespmem:s15], [sflag:$0x4], $0x2800, $0x38;
	[tilespmem:$0x78A0] =	vst v63  }
0x4c: {  	_ =	swait.ge [sflag:s12], $0x2800  }
.Ltmp0:
0x4d: {  	[sflag:s12] =	ssyncset.done $0x0;
	(pc) =	sbr.rel @p0 .LBB2_2-.Ltmp0, $4  }
0x4e: {  	s24 =	sadd.s32 s24, s7;
	[sflag:s12] =	ssyncadd.s32 $0xFFFFD800  }
0x4f: {  	[hbm4b:s24+s3] =	stream.linear.scatter [tilespmem:s16], [sflag:$0x4], $0x2800, $0x38;
	[tilespmem:$0x78A0] =	vst v63  }
0x50: {  	_ =	swait.ge [sflag:s12], $0x2800  }
0x51: {  	[sflag:s12] =	ssyncset.done $0x0  }
0x52: {  	s20 =	sadd.s32 $0x1, s20  }
0x53: {  	p0 =	sne.s32 s20, s6  }
.Ltmp1:
0x54: {  	_ = 	snop;
	(pc) =	sbr.rel @p0 .LBB2_1-.Ltmp1, $2  }
0x55: {  	_ =	sdelay $0x2  }
0x56: {  	[sflag:s12] =	ssyncadd.s32 $0xFFFFD800  }
0x57: {  	_ =	sfence.sel $0x180000  }
0x58: {  	[bflag:$0x0] =	sbarrier.arrive $0xFFFF  }
0x59: {  	p0 =	sne.s32 s0, $0x0;
	_ =	strace $0x90000047  }
0x5a: {  	s0 =	sadd.s32 @!p0 $0x100000, s1;
	[bflag:$0x2] =	sbarrier.arrive $0xFFFF  }
0x5b: {  	[sflag:s0] =	ssyncadd.tile.s32 @!p0 $0x1;
	_ =	shalt  }
.Lfunc_end2:
_tile_overlayer_lowered:
.L_overlay_start_2:
0x5c: {  	(tag) =	ssettag $0x2  }
0x5d: {  	s0 =	rddreg [dreg:$0x0];
	s2 =	stileid.u32  }
0x5e: {  	s1 =	rddreg [dreg:$0x1];
	p0 =	sne.s32 s2, $0x0  }
0x5f: {  	s3 =	rddreg [dreg:$0x2];
	[bflag:$0x3] =	sbarrier.arrive $0xFFFF;
	s2 =	simm.s32 @!p0 $0x1C04  }
0x60: {  	[timem:s3], [sflag:s2] =	dma.local @!p0 [hbm:s0], s1  }
0x61: {  	s0 =	simm.s32 @!p0 $0x4  }
0x62: {  	_ =	swait.ge @!p0 [sflag:s0], s1  }
0x63: {  	s1 =	ssub.s32 @!p0 $0x0, s1;
	[sflag:s0] =	ssyncset.done @!p0 $0x0  }
0x64: {  	[sflag:s0] =	ssyncadd.s32 @!p0 s1  }
0x65: {  	[bflag:$0x3] =	sbarrier.arrive $0xFFFF  }
0x66: {  	_ =	shalt  }

</sc_bundles>
